<compile_context>
chip_gen: v7x
topology: tpu7x:2x2x1
jax: 0.10.2.dev20260603
libtpu: 0.0.44.dev20260713+nightly
codegen_flags: <defaults>
</compile_context>

<pallas_src>
import functools

import jax
import jax.numpy as jnp
from jax import lax
from jax.experimental import pallas as pl
from jax.experimental.pallas import tpu as pltpu
from jax.experimental.pallas import tpu_sc as plsc

_LANES = 16
_NC = 2
_NS = 16
_NW = _NC * _NS

_G = 4
_CH = 100


def _emb_body(x_hbm, tok_hbm, pos_hbm, out_hbm,
              idx0, idx1, rows0, rows1, pos_v,
              gsem0, gsem1, osem0, osem1,
              *, L, D, rows_per_w):
    wid = lax.axis_index("s") * _NC + lax.axis_index("c")
    nch = (_G * L) // _CH
    groups = rows_per_w // _G
    dchunks = D // _LANES
    b0_w = wid * rows_per_w

    def fire(gi, idx_v, rows_v, gsem):
        idx_row0 = pl.multiple_of((b0_w + gi * _G) * L // _CH, 8)
        pltpu.sync_copy(x_hbm.at[pl.ds(idx_row0, nch)], idx_v)
        for j in range(nch):
            pltpu.async_copy(
                tok_hbm.at[idx_v.at[j]],
                rows_v.at[j // 2].at[pl.ds((j % 2) * _CH, _CH)],
                gsem,
            )

    def wait_gathers(rows_v, gsem):
        pltpu.make_async_copy(out_hbm.at[pl.ds(0, _G)], rows_v, gsem).wait()

    def fire_out(gi, rows_v, osem):
        pltpu.async_copy(rows_v, out_hbm.at[pl.ds(b0_w + gi * _G, _G)], osem)

    def wait_out(rows_v, osem):
        pltpu.make_async_copy(rows_v, out_hbm.at[pl.ds(0, _G)], osem).wait()

    def add_pos(rows_v):
        def add_l(l, c):
            for ci in range(dchunks):
                sl = pl.ds(ci * _LANES, _LANES)
                pc = pos_v[l, sl]
                for g in range(_G):
                    rows_v[g, l, sl] = rows_v[g, l, sl] + pc
            return c
        lax.fori_loop(0, L, add_l, 0)

    pltpu.sync_copy(pos_hbm, pos_v)
    fire(0, idx0, rows0, gsem0)

    def pair(p, carry):
        gi0 = 2 * p
        gi1 = 2 * p + 1
        @pl.when(p > 0)
        def _():
            wait_out(rows1, osem1)
        fire(gi1, idx1, rows1, gsem1)
        wait_gathers(rows0, gsem0)
        add_pos(rows0)
        fire_out(gi0, rows0, osem0)
        wait_out(rows0, osem0)
        @pl.when(p < groups // 2 - 1)
        def _():
            fire(gi1 + 1, idx0, rows0, gsem0)
        wait_gathers(rows1, gsem1)
        add_pos(rows1)
        fire_out(gi1, rows1, osem1)
        return carry

    lax.fori_loop(0, groups // 2, pair, 0)
    wait_out(rows1, osem1)


def kernel(x, token_table, pos_table):
    B, L = x.shape
    V, D = token_table.shape
    rows_per_w = B // _NW
    nch = (_G * L) // _CH

    x_view = x.reshape(B * L // _CH, _CH).astype(jnp.int32)

    body = functools.partial(_emb_body, L=L, D=D, rows_per_w=rows_per_w)
    emb = pl.kernel(
        body,
        out_type=jax.ShapeDtypeStruct((B, L, D), jnp.float32),
        mesh=plsc.VectorSubcoreMesh(core_axis_name="c", subcore_axis_name="s"),
        scratch_types=[
            pltpu.VMEM((nch, _CH), jnp.int32),
            pltpu.VMEM((nch, _CH), jnp.int32),
            pltpu.VMEM((_G, L, D), jnp.float32),
            pltpu.VMEM((_G, L, D), jnp.float32),
            pltpu.VMEM((L, D), jnp.float32),
            pltpu.SemaphoreType.DMA,
            pltpu.SemaphoreType.DMA,
            pltpu.SemaphoreType.DMA,
            pltpu.SemaphoreType.DMA,
        ],
        compiler_params=pltpu.CompilerParams(use_tc_tiling_on_sc=False),
    )
    return emb(x_view, token_table, pos_table)

# --- scband reference (transcript-rebuilt; emitter-appended) ---
"""Pipeline reference for scband-token-position-embedding-78477642433321 (READ-ONLY COPY).

The authoritative reference and input builder live on the scoring server;
editing this copy changes nothing except your own understanding.
"""

import jax, jax.numpy as jnp
import numpy as np

VOCAB_SIZE = 100000
EMBED_DIM = 64
MAXLEN = 200
BATCH = 4096

def setup_inputs(seed: int = 0) -> dict:
    key = jax.random.key(seed)
    k1, k2, k3 = jax.random.split(key, 3)
    x = jax.random.randint(k1, (BATCH, MAXLEN), 0, VOCAB_SIZE, dtype=jnp.int64 if jax.config.jax_enable_x64 else jnp.int32)
    token_table = jax.random.normal(k2, (VOCAB_SIZE, EMBED_DIM), dtype=jnp.float32) * 0.02
    pos_table = jax.random.normal(k3, (MAXLEN, EMBED_DIM), dtype=jnp.float32) * 0.02
    return {"x": x, "token_table": token_table, "pos_table": pos_table}

def reference(x, token_table, pos_table):
    # Faithful translation: positions 0..maxlen-1 (torch.range in the original is
    # an off-by-one bug that would break broadcasting; intended arange(maxlen)).
    maxlen = x.shape[-1]
    positions = jnp.arange(maxlen)
    pos = jnp.take(pos_table, positions, axis=0)          # [L, D]
    tok = jnp.take(token_table, x, axis=0)                # [B, L, D]
    return tok + pos

if __name__ == "__main__":
    import jax
    _d = setup_inputs()
    print(jax.jit(kernel)(*tuple(_d.values())))

</pallas_src>

<mosaic_0001>
#map = affine_map<(d0, d1) -> (0, 0)>
#map1 = affine_map<(d0, d1) -> (0, 0, 0)>
module attributes {stable_mosaic.version = 14 : i64} {
  func.func @_emb_body(%arg0: i32, %arg1: i32, %arg2: memref<8192x100xi32, #tpu.memory_space<hbm>>, %arg3: memref<100000x64xf32, #tpu.memory_space<hbm>>, %arg4: memref<200x64xf32, #tpu.memory_space<hbm>>, %arg5: memref<4096x200x64xf32, #tpu.memory_space<hbm>>, %arg6: memref<8x100xi32, #tpu.memory_space<vmem>>, %arg7: memref<8x100xi32, #tpu.memory_space<vmem>>, %arg8: memref<4x200x64xf32, #tpu.memory_space<vmem>>, %arg9: memref<4x200x64xf32, #tpu.memory_space<vmem>>, %arg10: memref<200x64xf32, #tpu.memory_space<vmem>>, %arg11: memref<!tpu.dma_semaphore, #tpu.memory_space<semaphore_mem>>, %arg12: memref<!tpu.dma_semaphore, #tpu.memory_space<semaphore_mem>>, %arg13: memref<!tpu.dma_semaphore, #tpu.memory_space<semaphore_mem>>, %arg14: memref<!tpu.dma_semaphore, #tpu.memory_space<semaphore_mem>>) attributes {dimension_semantics = [#tpu.dimension_semantics<core_parallel>, #tpu.dimension_semantics<subcore_parallel>], iteration_bounds = array<i64: 2, 16>, scalar_prefetch = 0 : i64, scratch_operands = 9 : i64, tpu.core_type = #tpu.core_type<sc_vector_subcore>, window_params = [{transform_indices = #map}, {transform_indices = #map}, {transform_indices = #map}, {transform_indices = #map1}]} {
    %mul3A = arith.constant 2 : i32
    %mul3A_0 = arith.muli %arg1, %mul3A : i32
    %add3A = arith.addi %mul3A_0, %arg0 : i32
    %mul3A_1 = arith.constant 128 : i32
    %mul3A_2 = arith.muli %add3A, %mul3A_1 : i32
    "tpu.region"() ({
      %run_scoped3A = tpu.sem_alloc : memref<!tpu.dma_semaphore, #tpu.memory_space<semaphore_mem>>
      tpu.enqueue_dma source(%arg4 : memref<200x64xf32, #tpu.memory_space<hbm>>) target(%arg10 : memref<200x64xf32, #tpu.memory_space<vmem>>) target_semaphore(%run_scoped3A : memref<!tpu.dma_semaphore, #tpu.memory_space<semaphore_mem>>)
      tpu.wait_dma2 semaphore(%run_scoped3A : memref<!tpu.dma_semaphore, #tpu.memory_space<semaphore_mem>>) src(%arg4 : memref<200x64xf32, #tpu.memory_space<hbm>>) dst(%arg10 : memref<200x64xf32, #tpu.memory_space<vmem>>)
      tpu.yield
    }) : () -> ()
    %add3A_3 = arith.constant 0 : i32
    %add3A_4 = arith.addi %mul3A_2, %add3A_3 : i32
    %mul3A_5 = arith.constant 200 : i32
    %mul3A_6 = arith.muli %add3A_4, %mul3A_5 : i32
    %jit3A = arith.constant 100 : i32
    %div3A = arith.divsi %mul3A_6, %jit3A : i32
    %sign3A = arith.constant 0 : i32
    %sign3A_7 = arith.cmpi sgt, %mul3A_6, %sign3A : i32
    %sign3A_8 = arith.extui %sign3A_7 : i1 to i32
    %sign3A_9 = arith.constant 0 : i32
    %sign3A_10 = arith.cmpi slt, %mul3A_6, %sign3A_9 : i32
    %sign3A_11 = arith.extui %sign3A_10 : i1 to i32
    %sign3A_12 = arith.subi %sign3A_8, %sign3A_11 : i32
    %sign3A_13 = arith.constant 0 : i32
    %sign3A_14 = arith.cmpi sgt, %jit3A, %sign3A_13 : i32
    %sign3A_15 = arith.extui %sign3A_14 : i1 to i32
    %sign3A_16 = arith.constant 0 : i32
    %sign3A_17 = arith.cmpi slt, %jit3A, %sign3A_16 : i32
    %sign3A_18 = arith.extui %sign3A_17 : i1 to i32
    %sign3A_19 = arith.subi %sign3A_15, %sign3A_18 : i32
    %ne3A = arith.cmpi ne, %sign3A_12, %sign3A_19 : i32
    %rem3A = arith.remsi %mul3A_6, %jit3A : i32
    %ne3A_20 = arith.constant 0 : i32
    %ne3A_21 = arith.cmpi ne, %rem3A, %ne3A_20 : i32
    %and3A = arith.andi %ne3A, %ne3A_21 : i1
    %sub3A = arith.constant 1 : i32
    %sub3A_22 = arith.subi %div3A, %sub3A : i32
    %select_n3A = arith.select %and3A, %sub3A_22, %div3A : i32
    %multiple_of3A = tpu.assume_multiple %select_n3A, 8 : i32
    "tpu.region"() ({
      %run_scoped3A = tpu.sem_alloc : memref<!tpu.dma_semaphore, #tpu.memory_space<semaphore_mem>>
      %dma_start3A_154 = arith.constant 0 : i32
      %dma_start3A_155 = tpu.memref_slice %arg2[%multiple_of3A, %dma_start3A_154] : memref<8192x100xi32, #tpu.memory_space<hbm>> -> memref<8x100xi32, #tpu.memory_space<hbm>>
      %dma_start3A_156 = arith.constant 0 : i32
      %dma_start3A_157 = tpu.memref_slice %arg2[%multiple_of3A, %dma_start3A_156] : memref<8192x100xi32, #tpu.memory_space<hbm>> -> memref<8x100xi32, #tpu.memory_space<hbm>>
      tpu.enqueue_dma source(%dma_start3A_157 : memref<8x100xi32, #tpu.memory_space<hbm>>) target(%arg6 : memref<8x100xi32, #tpu.memory_space<vmem>>) target_semaphore(%run_scoped3A : memref<!tpu.dma_semaphore, #tpu.memory_space<semaphore_mem>>)
      %dma_wait3A_158 = arith.constant 0 : i32
      %dma_wait3A_159 = tpu.memref_slice %arg2[%multiple_of3A, %dma_wait3A_158] : memref<8192x100xi32, #tpu.memory_space<hbm>> -> memref<8x100xi32, #tpu.memory_space<hbm>>
      %dma_wait3A_160 = arith.constant 0 : i32
      %dma_wait3A_161 = tpu.memref_slice %arg2[%multiple_of3A, %dma_wait3A_160] : memref<8192x100xi32, #tpu.memory_space<hbm>> -> memref<8x100xi32, #tpu.memory_space<hbm>>
      tpu.wait_dma2 semaphore(%run_scoped3A : memref<!tpu.dma_semaphore, #tpu.memory_space<semaphore_mem>>) src(%dma_wait3A_161 : memref<8x100xi32, #tpu.memory_space<hbm>>) dst(%arg6 : memref<8x100xi32, #tpu.memory_space<vmem>>)
      tpu.yield
    }) : () -> ()
    %dma_start3A = arith.constant 0 : i32
    %dma_start3A_23 = arith.constant 0 : i32
    %dma_start3A_24 = arith.constant 0 : i32
    %dma_start3A_25 = arith.constant 0 : i32
    %dma_start3A_26 = tpu.memref_slice %arg8[%dma_start3A_23, %dma_start3A_24, %dma_start3A_25] : memref<4x200x64xf32, #tpu.memory_space<vmem>> -> memref<1x200x64xf32, #tpu.memory_space<vmem>>
    %dma_start3A_27 = tpu.memref_squeeze %dma_start3A_26 : memref<1x200x64xf32, #tpu.memory_space<vmem>> -> memref<200x64xf32, #tpu.memory_space<vmem>>
    %dma_start3A_28 = arith.constant 0 : i32
    %dma_start3A_29 = arith.constant 0 : i32
    %dma_start3A_30 = tpu.memref_slice %dma_start3A_27[%dma_start3A_28, %dma_start3A_29] : memref<200x64xf32, #tpu.memory_space<vmem>> -> memref<100x64xf32, #tpu.memory_space<vmem>>
    %dma_start3A_31 = arith.constant 0 : i32
    %dma_start3A_32 = tpu.memref_slice %arg6[%dma_start3A, %dma_start3A_31] : memref<8x100xi32, #tpu.memory_space<vmem>> -> memref<1x100xi32, #tpu.memory_space<vmem>>
    %dma_start3A_33 = tpu.memref_squeeze %dma_start3A_32 : memref<1x100xi32, #tpu.memory_space<vmem>> -> memref<100xi32, #tpu.memory_space<vmem>>
    %dma_start3A_34 = arith.constant 0 : i32
    %dma_start3A_35 = arith.constant 0 : i32
    %dma_start3A_36 = tpu.memref_slice %arg3[%dma_start3A_34, %dma_start3A_35] : memref<100000x64xf32, #tpu.memory_space<hbm>> -> memref<100000x64xf32, #tpu.memory_space<hbm>>
    tpu.enqueue_indirect_dma source(%dma_start3A_36 : memref<100000x64xf32, #tpu.memory_space<hbm>>) target(%dma_start3A_30 : memref<100x64xf32, #tpu.memory_space<vmem>>) offsets(%dma_start3A_33 : memref<100xi32, #tpu.memory_space<vmem>>) semaphore(%arg11 : memref<!tpu.dma_semaphore, #tpu.memory_space<semaphore_mem>>)
    %dma_start3A_37 = arith.constant 1 : i32
    %dma_start3A_38 = arith.constant 0 : i32
    %dma_start3A_39 = arith.constant 0 : i32
    %dma_start3A_40 = arith.constant 0 : i32
    %dma_start3A_41 = tpu.memref_slice %arg8[%dma_start3A_38, %dma_start3A_39, %dma_start3A_40] : memref<4x200x64xf32, #tpu.memory_space<vmem>> -> memref<1x200x64xf32, #tpu.memory_space<vmem>>
    %dma_start3A_42 = tpu.memref_squeeze %dma_start3A_41 : memref<1x200x64xf32, #tpu.memory_space<vmem>> -> memref<200x64xf32, #tpu.memory_space<vmem>>
    %dma_start3A_43 = arith.constant 100 : i32
    %dma_start3A_44 = arith.constant 0 : i32
    %dma_start3A_45 = tpu.memref_slice %dma_start3A_42[%dma_start3A_43, %dma_start3A_44] : memref<200x64xf32, #tpu.memory_space<vmem>> -> memref<100x64xf32, #tpu.memory_space<vmem>>
    %dma_start3A_46 = arith.constant 0 : i32
    %dma_start3A_47 = tpu.memref_slice %arg6[%dma_start3A_37, %dma_start3A_46] : memref<8x100xi32, #tpu.memory_space<vmem>> -> memref<1x100xi32, #tpu.memory_space<vmem>>
    %dma_start3A_48 = tpu.memref_squeeze %dma_start3A_47 : memref<1x100xi32, #tpu.memory_space<vmem>> -> memref<100xi32, #tpu.memory_space<vmem>>
    %dma_start3A_49 = arith.constant 0 : i32
    %dma_start3A_50 = arith.constant 0 : i32
    %dma_start3A_51 = tpu.memref_slice %arg3[%dma_start3A_49, %dma_start3A_50] : memref<100000x64xf32, #tpu.memory_space<hbm>> -> memref<100000x64xf32, #tpu.memory_space<hbm>>
    tpu.enqueue_indirect_dma source(%dma_start3A_51 : memref<100000x64xf32, #tpu.memory_space<hbm>>) target(%dma_start3A_45 : memref<100x64xf32, #tpu.memory_space<vmem>>) offsets(%dma_start3A_48 : memref<100xi32, #tpu.memory_space<vmem>>) semaphore(%arg11 : memref<!tpu.dma_semaphore, #tpu.memory_space<semaphore_mem>>)
    %dma_start3A_52 = arith.constant 2 : i32
    %dma_start3A_53 = arith.constant 1 : i32
    %dma_start3A_54 = arith.constant 0 : i32
    %dma_start3A_55 = arith.constant 0 : i32
    %dma_start3A_56 = tpu.memref_slice %arg8[%dma_start3A_53, %dma_start3A_54, %dma_start3A_55] : memref<4x200x64xf32, #tpu.memory_space<vmem>> -> memref<1x200x64xf32, #tpu.memory_space<vmem>>
    %dma_start3A_57 = tpu.memref_squeeze %dma_start3A_56 : memref<1x200x64xf32, #tpu.memory_space<vmem>> -> memref<200x64xf32, #tpu.memory_space<vmem>>
    %dma_start3A_58 = arith.constant 0 : i32
    %dma_start3A_59 = arith.constant 0 : i32
    %dma_start3A_60 = tpu.memref_slice %dma_start3A_57[%dma_start3A_58, %dma_start3A_59] : memref<200x64xf32, #tpu.memory_space<vmem>> -> memref<100x64xf32, #tpu.memory_space<vmem>>
    %dma_start3A_61 = arith.constant 0 : i32
    %dma_start3A_62 = tpu.memref_slice %arg6[%dma_start3A_52, %dma_start3A_61] : memref<8x100xi32, #tpu.memory_space<vmem>> -> memref<1x100xi32, #tpu.memory_space<vmem>>
    %dma_start3A_63 = tpu.memref_squeeze %dma_start3A_62 : memref<1x100xi32, #tpu.memory_space<vmem>> -> memref<100xi32, #tpu.memory_space<vmem>>
    %dma_start3A_64 = arith.constant 0 : i32
    %dma_start3A_65 = arith.constant 0 : i32
    %dma_start3A_66 = tpu.memref_slice %arg3[%dma_start3A_64, %dma_start3A_65] : memref<100000x64xf32, #tpu.memory_space<hbm>> -> memref<100000x64xf32, #tpu.memory_space<hbm>>
    tpu.enqueue_indirect_dma source(%dma_start3A_66 : memref<100000x64xf32, #tpu.memory_space<hbm>>) target(%dma_start3A_60 : memref<100x64xf32, #tpu.memory_space<vmem>>) offsets(%dma_start3A_63 : memref<100xi32, #tpu.memory_space<vmem>>) semaphore(%arg11 : memref<!tpu.dma_semaphore, #tpu.memory_space<semaphore_mem>>)
    %dma_start3A_67 = arith.constant 3 : i32
    %dma_start3A_68 = arith.constant 1 : i32
    %dma_start3A_69 = arith.constant 0 : i32
    %dma_start3A_70 = arith.constant 0 : i32
    %dma_start3A_71 = tpu.memref_slice %arg8[%dma_start3A_68, %dma_start3A_69, %dma_start3A_70] : memref<4x200x64xf32, #tpu.memory_space<vmem>> -> memref<1x200x64xf32, #tpu.memory_space<vmem>>
    %dma_start3A_72 = tpu.memref_squeeze %dma_start3A_71 : memref<1x200x64xf32, #tpu.memory_space<vmem>> -> memref<200x64xf32, #tpu.memory_space<vmem>>
    %dma_start3A_73 = arith.constant 100 : i32
    %dma_start3A_74 = arith.constant 0 : i32
    %dma_start3A_75 = tpu.memref_slice %dma_start3A_72[%dma_start3A_73, %dma_start3A_74] : memref<200x64xf32, #tpu.memory_space<vmem>> -> memref<100x64xf32, #tpu.memory_space<vmem>>
    %dma_start3A_76 = arith.constant 0 : i32
    %dma_start3A_77 = tpu.memref_slice %arg6[%dma_start3A_67, %dma_start3A_76] : memref<8x100xi32, #tpu.memory_space<vmem>> -> memref<1x100xi32, #tpu.memory_space<vmem>>
    %dma_start3A_78 = tpu.memref_squeeze %dma_start3A_77 : memref<1x100xi32, #tpu.memory_space<vmem>> -> memref<100xi32, #tpu.memory_space<vmem>>
    %dma_start3A_79 = arith.constant 0 : i32
    %dma_start3A_80 = arith.constant 0 : i32
    %dma_start3A_81 = tpu.memref_slice %arg3[%dma_start3A_79, %dma_start3A_80] : memref<100000x64xf32, #tpu.memory_space<hbm>> -> memref<100000x64xf32, #tpu.memory_space<hbm>>
    tpu.enqueue_indirect_dma source(%dma_start3A_81 : memref<100000x64xf32, #tpu.memory_space<hbm>>) target(%dma_start3A_75 : memref<100x64xf32, #tpu.memory_space<vmem>>) offsets(%dma_start3A_78 : memref<100xi32, #tpu.memory_space<vmem>>) semaphore(%arg11 : memref<!tpu.dma_semaphore, #tpu.memory_space<semaphore_mem>>)
    %dma_start3A_82 = arith.constant 4 : i32
    %dma_start3A_83 = arith.constant 2 : i32
    %dma_start3A_84 = arith.constant 0 : i32
    %dma_start3A_85 = arith.constant 0 : i32
    %dma_start3A_86 = tpu.memref_slice %arg8[%dma_start3A_83, %dma_start3A_84, %dma_start3A_85] : memref<4x200x64xf32, #tpu.memory_space<vmem>> -> memref<1x200x64xf32, #tpu.memory_space<vmem>>
    %dma_start3A_87 = tpu.memref_squeeze %dma_start3A_86 : memref<1x200x64xf32, #tpu.memory_space<vmem>> -> memref<200x64xf32, #tpu.memory_space<vmem>>
    %dma_start3A_88 = arith.constant 0 : i32
    %dma_start3A_89 = arith.constant 0 : i32
    %dma_start3A_90 = tpu.memref_slice %dma_start3A_87[%dma_start3A_88, %dma_start3A_89] : memref<200x64xf32, #tpu.memory_space<vmem>> -> memref<100x64xf32, #tpu.memory_space<vmem>>
    %dma_start3A_91 = arith.constant 0 : i32
    %dma_start3A_92 = tpu.memref_slice %arg6[%dma_start3A_82, %dma_start3A_91] : memref<8x100xi32, #tpu.memory_space<vmem>> -> memref<1x100xi32, #tpu.memory_space<vmem>>
    %dma_start3A_93 = tpu.memref_squeeze %dma_start3A_92 : memref<1x100xi32, #tpu.memory_space<vmem>> -> memref<100xi32, #tpu.memory_space<vmem>>
    %dma_start3A_94 = arith.constant 0 : i32
    %dma_start3A_95 = arith.constant 0 : i32
    %dma_start3A_96 = tpu.memref_slice %arg3[%dma_start3A_94, %dma_start3A_95] : memref<100000x64xf32, #tpu.memory_space<hbm>> -> memref<100000x64xf32, #tpu.memory_space<hbm>>
    tpu.enqueue_indirect_dma source(%dma_start3A_96 : memref<100000x64xf32, #tpu.memory_space<hbm>>) target(%dma_start3A_90 : memref<100x64xf32, #tpu.memory_space<vmem>>) offsets(%dma_start3A_93 : memref<100xi32, #tpu.memory_space<vmem>>) semaphore(%arg11 : memref<!tpu.dma_semaphore, #tpu.memory_space<semaphore_mem>>)
    %dma_start3A_97 = arith.constant 5 : i32
    %dma_start3A_98 = arith.constant 2 : i32
    %dma_start3A_99 = arith.constant 0 : i32
    %dma_start3A_100 = arith.constant 0 : i32
    %dma_start3A_101 = tpu.memref_slice %arg8[%dma_start3A_98, %dma_start3A_99, %dma_start3A_100] : memref<4x200x64xf32, #tpu.memory_space<vmem>> -> memref<1x200x64xf32, #tpu.memory_space<vmem>>
    %dma_start3A_102 = tpu.memref_squeeze %dma_start3A_101 : memref<1x200x64xf32, #tpu.memory_space<vmem>> -> memref<200x64xf32, #tpu.memory_space<vmem>>
    %dma_start3A_103 = arith.constant 100 : i32
    %dma_start3A_104 = arith.constant 0 : i32
    %dma_start3A_105 = tpu.memref_slice %dma_start3A_102[%dma_start3A_103, %dma_start3A_104] : memref<200x64xf32, #tpu.memory_space<vmem>> -> memref<100x64xf32, #tpu.memory_space<vmem>>
    %dma_start3A_106 = arith.constant 0 : i32
    %dma_start3A_107 = tpu.memref_slice %arg6[%dma_start3A_97, %dma_start3A_106] : memref<8x100xi32, #tpu.memory_space<vmem>> -> memref<1x100xi32, #tpu.memory_space<vmem>>
    %dma_start3A_108 = tpu.memref_squeeze %dma_start3A_107 : memref<1x100xi32, #tpu.memory_space<vmem>> -> memref<100xi32, #tpu.memory_space<vmem>>
    %dma_start3A_109 = arith.constant 0 : i32
    %dma_start3A_110 = arith.constant 0 : i32
    %dma_start3A_111 = tpu.memref_slice %arg3[%dma_start3A_109, %dma_start3A_110] : memref<100000x64xf32, #tpu.memory_space<hbm>> -> memref<100000x64xf32, #tpu.memory_space<hbm>>
    tpu.enqueue_indirect_dma source(%dma_start3A_111 : memref<100000x64xf32, #tpu.memory_space<hbm>>) target(%dma_start3A_105 : memref<100x64xf32, #tpu.memory_space<vmem>>) offsets(%dma_start3A_108 : memref<100xi32, #tpu.memory_space<vmem>>) semaphore(%arg11 : memref<!tpu.dma_semaphore, #tpu.memory_space<semaphore_mem>>)
    %dma_start3A_112 = arith.constant 6 : i32
    %dma_start3A_113 = arith.constant 3 : i32
    %dma_start3A_114 = arith.constant 0 : i32
    %dma_start3A_115 = arith.constant 0 : i32
    %dma_start3A_116 = tpu.memref_slice %arg8[%dma_start3A_113, %dma_start3A_114, %dma_start3A_115] : memref<4x200x64xf32, #tpu.memory_space<vmem>> -> memref<1x200x64xf32, #tpu.memory_space<vmem>>
    %dma_start3A_117 = tpu.memref_squeeze %dma_start3A_116 : memref<1x200x64xf32, #tpu.memory_space<vmem>> -> memref<200x64xf32, #tpu.memory_space<vmem>>
    %dma_start3A_118 = arith.constant 0 : i32
    %dma_start3A_119 = arith.constant 0 : i32
    %dma_start3A_120 = tpu.memref_slice %dma_start3A_117[%dma_start3A_118, %dma_start3A_119] : memref<200x64xf32, #tpu.memory_space<vmem>> -> memref<100x64xf32, #tpu.memory_space<vmem>>
    %dma_start3A_121 = arith.constant 0 : i32
    %dma_start3A_122 = tpu.memref_slice %arg6[%dma_start3A_112, %dma_start3A_121] : memref<8x100xi32, #tpu.memory_space<vmem>> -> memref<1x100xi32, #tpu.memory_space<vmem>>
    %dma_start3A_123 = tpu.memref_squeeze %dma_start3A_122 : memref<1x100xi32, #tpu.memory_space<vmem>> -> memref<100xi32, #tpu.memory_space<vmem>>
    %dma_start3A_124 = arith.constant 0 : i32
    %dma_start3A_125 = arith.constant 0 : i32
    %dma_start3A_126 = tpu.memref_slice %arg3[%dma_start3A_124, %dma_start3A_125] : memref<100000x64xf32, #tpu.memory_space<hbm>> -> memref<100000x64xf32, #tpu.memory_space<hbm>>
    tpu.enqueue_indirect_dma source(%dma_start3A_126 : memref<100000x64xf32, #tpu.memory_space<hbm>>) target(%dma_start3A_120 : memref<100x64xf32, #tpu.memory_space<vmem>>) offsets(%dma_start3A_123 : memref<100xi32, #tpu.memory_space<vmem>>) semaphore(%arg11 : memref<!tpu.dma_semaphore, #tpu.memory_space<semaphore_mem>>)
    %dma_start3A_127 = arith.constant 7 : i32
    %dma_start3A_128 = arith.constant 3 : i32
    %dma_start3A_129 = arith.constant 0 : i32
    %dma_start3A_130 = arith.constant 0 : i32
    %dma_start3A_131 = tpu.memref_slice %arg8[%dma_start3A_128, %dma_start3A_129, %dma_start3A_130] : memref<4x200x64xf32, #tpu.memory_space<vmem>> -> memref<1x200x64xf32, #tpu.memory_space<vmem>>
    %dma_start3A_132 = tpu.memref_squeeze %dma_start3A_131 : memref<1x200x64xf32, #tpu.memory_space<vmem>> -> memref<200x64xf32, #tpu.memory_space<vmem>>
    %dma_start3A_133 = arith.constant 100 : i32
    %dma_start3A_134 = arith.constant 0 : i32
    %dma_start3A_135 = tpu.memref_slice %dma_start3A_132[%dma_start3A_133, %dma_start3A_134] : memref<200x64xf32, #tpu.memory_space<vmem>> -> memref<100x64xf32, #tpu.memory_space<vmem>>
    %dma_start3A_136 = arith.constant 0 : i32
    %dma_start3A_137 = tpu.memref_slice %arg6[%dma_start3A_127, %dma_start3A_136] : memref<8x100xi32, #tpu.memory_space<vmem>> -> memref<1x100xi32, #tpu.memory_space<vmem>>
    %dma_start3A_138 = tpu.memref_squeeze %dma_start3A_137 : memref<1x100xi32, #tpu.memory_space<vmem>> -> memref<100xi32, #tpu.memory_space<vmem>>
    %dma_start3A_139 = arith.constant 0 : i32
    %dma_start3A_140 = arith.constant 0 : i32
    %dma_start3A_141 = tpu.memref_slice %arg3[%dma_start3A_139, %dma_start3A_140] : memref<100000x64xf32, #tpu.memory_space<hbm>> -> memref<100000x64xf32, #tpu.memory_space<hbm>>
    tpu.enqueue_indirect_dma source(%dma_start3A_141 : memref<100000x64xf32, #tpu.memory_space<hbm>>) target(%dma_start3A_135 : memref<100x64xf32, #tpu.memory_space<vmem>>) offsets(%dma_start3A_138 : memref<100xi32, #tpu.memory_space<vmem>>) semaphore(%arg11 : memref<!tpu.dma_semaphore, #tpu.memory_space<semaphore_mem>>)
    %scan3A = arith.constant 0 : i32
    %scan3A_142 = arith.constant 0 : i32
    %scan3A_143 = arith.constant 16 : i32
    %scan3A_144 = arith.addi %scan3A_142, %scan3A_143 : i32
    %scan3A_145 = arith.constant 1 : i32
    scf.for %scan3A_154 = %scan3A_142 to %scan3A_144 step %scan3A_145  : i32 {
      %mul3A_155 = arith.constant 2 : i32
      %mul3A_156 = arith.muli %mul3A_155, %scan3A_154 : i32
      %mul3A_157 = arith.constant 2 : i32
      %mul3A_158 = arith.muli %mul3A_157, %scan3A_154 : i32
      %add3A_159 = arith.constant 1 : i32
      %add3A_160 = arith.addi %mul3A_158, %add3A_159 : i32
      %gt3A = arith.constant 0 : i32
      %gt3A_161 = arith.cmpi sgt, %scan3A_154, %gt3A : i32
      %convert_element_type3A = arith.extui %gt3A_161 : i1 to i32
      %cond3A = arith.constant 0 : i32
      %cond3A_162 = arith.cmpi ne, %convert_element_type3A, %cond3A : i32
      scf.if %cond3A_162 {
        %dma_wait3A_371 = arith.constant 0 : i32
        %dma_wait3A_372 = arith.constant 0 : i32
        %dma_wait3A_373 = arith.constant 0 : i32
        %dma_wait3A_374 = tpu.memref_slice %arg5[%dma_wait3A_371, %dma_wait3A_372, %dma_wait3A_373] : memref<4096x200x64xf32, #tpu.memory_space<hbm>> -> memref<4x200x64xf32, #tpu.memory_space<hbm>>
        %dma_wait3A_375 = arith.constant 0 : i32
        %dma_wait3A_376 = arith.constant 0 : i32
        %dma_wait3A_377 = arith.constant 0 : i32
        %dma_wait3A_378 = tpu.memref_slice %arg5[%dma_wait3A_375, %dma_wait3A_376, %dma_wait3A_377] : memref<4096x200x64xf32, #tpu.memory_space<hbm>> -> memref<4x200x64xf32, #tpu.memory_space<hbm>>
        tpu.wait_dma2 semaphore(%arg14 : memref<!tpu.dma_semaphore, #tpu.memory_space<semaphore_mem>>) src(%arg9 : memref<4x200x64xf32, #tpu.memory_space<vmem>>) dst(%dma_wait3A_378 : memref<4x200x64xf32, #tpu.memory_space<hbm>>)
      } else {
      }
      %mul3A_163 = arith.constant 4 : i32
      %mul3A_164 = arith.muli %add3A_160, %mul3A_163 : i32
      %add3A_165 = arith.addi %mul3A_2, %mul3A_164 : i32
      %mul3A_166 = arith.constant 200 : i32
      %mul3A_167 = arith.muli %add3A_165, %mul3A_166 : i32
      %jit3A_168 = arith.constant 100 : i32
      %div3A_169 = arith.divsi %mul3A_167, %jit3A_168 : i32
      %sign3A_170 = arith.constant 0 : i32
      %sign3A_171 = arith.cmpi sgt, %mul3A_167, %sign3A_170 : i32
      %sign3A_172 = arith.extui %sign3A_171 : i1 to i32
      %sign3A_173 = arith.constant 0 : i32
      %sign3A_174 = arith.cmpi slt, %mul3A_167, %sign3A_173 : i32
      %sign3A_175 = arith.extui %sign3A_174 : i1 to i32
      %sign3A_176 = arith.subi %sign3A_172, %sign3A_175 : i32
      %sign3A_177 = arith.constant 0 : i32
      %sign3A_178 = arith.cmpi sgt, %jit3A_168, %sign3A_177 : i32
      %sign3A_179 = arith.extui %sign3A_178 : i1 to i32
      %sign3A_180 = arith.constant 0 : i32
      %sign3A_181 = arith.cmpi slt, %jit3A_168, %sign3A_180 : i32
      %sign3A_182 = arith.extui %sign3A_181 : i1 to i32
      %sign3A_183 = arith.subi %sign3A_179, %sign3A_182 : i32
      %ne3A_184 = arith.cmpi ne, %sign3A_176, %sign3A_183 : i32
      %rem3A_185 = arith.remsi %mul3A_167, %jit3A_168 : i32
      %ne3A_186 = arith.constant 0 : i32
      %ne3A_187 = arith.cmpi ne, %rem3A_185, %ne3A_186 : i32
      %and3A_188 = arith.andi %ne3A_184, %ne3A_187 : i1
      %sub3A_189 = arith.constant 1 : i32
      %sub3A_190 = arith.subi %div3A_169, %sub3A_189 : i32
      %select_n3A_191 = arith.select %and3A_188, %sub3A_190, %div3A_169 : i32
      %multiple_of3A_192 = tpu.assume_multiple %select_n3A_191, 8 : i32
      "tpu.region"() ({
        %run_scoped3A = tpu.sem_alloc : memref<!tpu.dma_semaphore, #tpu.memory_space<semaphore_mem>>
        %dma_start3A_371 = arith.constant 0 : i32
        %dma_start3A_372 = tpu.memref_slice %arg2[%multiple_of3A_192, %dma_start3A_371] : memref<8192x100xi32, #tpu.memory_space<hbm>> -> memref<8x100xi32, #tpu.memory_space<hbm>>
        %dma_start3A_373 = arith.constant 0 : i32
        %dma_start3A_374 = tpu.memref_slice %arg2[%multiple_of3A_192, %dma_start3A_373] : memref<8192x100xi32, #tpu.memory_space<hbm>> -> memref<8x100xi32, #tpu.memory_space<hbm>>
        tpu.enqueue_dma source(%dma_start3A_374 : memref<8x100xi32, #tpu.memory_space<hbm>>) target(%arg7 : memref<8x100xi32, #tpu.memory_space<vmem>>) target_semaphore(%run_scoped3A : memref<!tpu.dma_semaphore, #tpu.memory_space<semaphore_mem>>)
        %dma_wait3A_375 = arith.constant 0 : i32
        %dma_wait3A_376 = tpu.memref_slice %arg2[%multiple_of3A_192, %dma_wait3A_375] : memref<8192x100xi32, #tpu.memory_space<hbm>> -> memref<8x100xi32, #tpu.memory_space<hbm>>
        %dma_wait3A_377 = arith.constant 0 : i32
        %dma_wait3A_378 = tpu.memref_slice %arg2[%multiple_of3A_192, %dma_wait3A_377] : memref<8192x100xi32, #tpu.memory_space<hbm>> -> memref<8x100xi32, #tpu.memory_space<hbm>>
        tpu.wait_dma2 semaphore(%run_scoped3A : memref<!tpu.dma_semaphore, #tpu.memory_space<semaphore_mem>>) src(%dma_wait3A_378 : memref<8x100xi32, #tpu.memory_space<hbm>>) dst(%arg7 : memref<8x100xi32, #tpu.memory_space<vmem>>)
        tpu.yield
      }) : () -> ()
      %dma_start3A_193 = arith.constant 0 : i32
      %dma_start3A_194 = arith.constant 0 : i32
      %dma_start3A_195 = arith.constant 0 : i32
      %dma_start3A_196 = arith.constant 0 : i32
      %dma_start3A_197 = tpu.memref_slice %arg9[%dma_start3A_194, %dma_start3A_195, %dma_start3A_196] : memref<4x200x64xf32, #tpu.memory_space<vmem>> -> memref<1x200x64xf32, #tpu.memory_space<vmem>>
      %dma_start3A_198 = tpu.memref_squeeze %dma_start3A_197 : memref<1x200x64xf32, #tpu.memory_space<vmem>> -> memref<200x64xf32, #tpu.memory_space<vmem>>
      %dma_start3A_199 = arith.constant 0 : i32
      %dma_start3A_200 = arith.constant 0 : i32
      %dma_start3A_201 = tpu.memref_slice %dma_start3A_198[%dma_start3A_199, %dma_start3A_200] : memref<200x64xf32, #tpu.memory_space<vmem>> -> memref<100x64xf32, #tpu.memory_space<vmem>>
      %dma_start3A_202 = arith.constant 0 : i32
      %dma_start3A_203 = tpu.memref_slice %arg7[%dma_start3A_193, %dma_start3A_202] : memref<8x100xi32, #tpu.memory_space<vmem>> -> memref<1x100xi32, #tpu.memory_space<vmem>>
      %dma_start3A_204 = tpu.memref_squeeze %dma_start3A_203 : memref<1x100xi32, #tpu.memory_space<vmem>> -> memref<100xi32, #tpu.memory_space<vmem>>
      %dma_start3A_205 = arith.constant 0 : i32
      %dma_start3A_206 = arith.constant 0 : i32
      %dma_start3A_207 = tpu.memref_slice %arg3[%dma_start3A_205, %dma_start3A_206] : memref<100000x64xf32, #tpu.memory_space<hbm>> -> memref<100000x64xf32, #tpu.memory_space<hbm>>
      tpu.enqueue_indirect_dma source(%dma_start3A_207 : memref<100000x64xf32, #tpu.memory_space<hbm>>) target(%dma_start3A_201 : memref<100x64xf32, #tpu.memory_space<vmem>>) offsets(%dma_start3A_204 : memref<100xi32, #tpu.memory_space<vmem>>) semaphore(%arg12 : memref<!tpu.dma_semaphore, #tpu.memory_space<semaphore_mem>>)
      %dma_start3A_208 = arith.constant 1 : i32
      %dma_start3A_209 = arith.constant 0 : i32
      %dma_start3A_210 = arith.constant 0 : i32
      %dma_start3A_211 = arith.constant 0 : i32
      %dma_start3A_212 = tpu.memref_slice %arg9[%dma_start3A_209, %dma_start3A_210, %dma_start3A_211] : memref<4x200x64xf32, #tpu.memory_space<vmem>> -> memref<1x200x64xf32, #tpu.memory_space<vmem>>
      %dma_start3A_213 = tpu.memref_squeeze %dma_start3A_212 : memref<1x200x64xf32, #tpu.memory_space<vmem>> -> memref<200x64xf32, #tpu.memory_space<vmem>>
      %dma_start3A_214 = arith.constant 100 : i32
      %dma_start3A_215 = arith.constant 0 : i32
      %dma_start3A_216 = tpu.memref_slice %dma_start3A_213[%dma_start3A_214, %dma_start3A_215] : memref<200x64xf32, #tpu.memory_space<vmem>> -> memref<100x64xf32, #tpu.memory_space<vmem>>
      %dma_start3A_217 = arith.constant 0 : i32
      %dma_start3A_218 = tpu.memref_slice %arg7[%dma_start3A_208, %dma_start3A_217] : memref<8x100xi32, #tpu.memory_space<vmem>> -> memref<1x100xi32, #tpu.memory_space<vmem>>
      %dma_start3A_219 = tpu.memref_squeeze %dma_start3A_218 : memref<1x100xi32, #tpu.memory_space<vmem>> -> memref<100xi32, #tpu.memory_space<vmem>>
      %dma_start3A_220 = arith.constant 0 : i32
      %dma_start3A_221 = arith.constant 0 : i32
      %dma_start3A_222 = tpu.memref_slice %arg3[%dma_start3A_220, %dma_start3A_221] : memref<100000x64xf32, #tpu.memory_space<hbm>> -> memref<100000x64xf32, #tpu.memory_space<hbm>>
      tpu.enqueue_indirect_dma source(%dma_start3A_222 : memref<100000x64xf32, #tpu.memory_space<hbm>>) target(%dma_start3A_216 : memref<100x64xf32, #tpu.memory_space<vmem>>) offsets(%dma_start3A_219 : memref<100xi32, #tpu.memory_space<vmem>>) semaphore(%arg12 : memref<!tpu.dma_semaphore, #tpu.memory_space<semaphore_mem>>)
      %dma_start3A_223 = arith.constant 2 : i32
      %dma_start3A_224 = arith.constant 1 : i32
      %dma_start3A_225 = arith.constant 0 : i32
      %dma_start3A_226 = arith.constant 0 : i32
      %dma_start3A_227 = tpu.memref_slice %arg9[%dma_start3A_224, %dma_start3A_225, %dma_start3A_226] : memref<4x200x64xf32, #tpu.memory_space<vmem>> -> memref<1x200x64xf32, #tpu.memory_space<vmem>>
      %dma_start3A_228 = tpu.memref_squeeze %dma_start3A_227 : memref<1x200x64xf32, #tpu.memory_space<vmem>> -> memref<200x64xf32, #tpu.memory_space<vmem>>
      %dma_start3A_229 = arith.constant 0 : i32
      %dma_start3A_230 = arith.constant 0 : i32
      %dma_start3A_231 = tpu.memref_slice %dma_start3A_228[%dma_start3A_229, %dma_start3A_230] : memref<200x64xf32, #tpu.memory_space<vmem>> -> memref<100x64xf32, #tpu.memory_space<vmem>>
      %dma_start3A_232 = arith.constant 0 : i32
      %dma_start3A_233 = tpu.memref_slice %arg7[%dma_start3A_223, %dma_start3A_232] : memref<8x100xi32, #tpu.memory_space<vmem>> -> memref<1x100xi32, #tpu.memory_space<vmem>>
      %dma_start3A_234 = tpu.memref_squeeze %dma_start3A_233 : memref<1x100xi32, #tpu.memory_space<vmem>> -> memref<100xi32, #tpu.memory_space<vmem>>
      %dma_start3A_235 = arith.constant 0 : i32
      %dma_start3A_236 = arith.constant 0 : i32
      %dma_start3A_237 = tpu.memref_slice %arg3[%dma_start3A_235, %dma_start3A_236] : memref<100000x64xf32, #tpu.memory_space<hbm>> -> memref<100000x64xf32, #tpu.memory_space<hbm>>
      tpu.enqueue_indirect_dma source(%dma_start3A_237 : memref<100000x64xf32, #tpu.memory_space<hbm>>) target(%dma_start3A_231 : memref<100x64xf32, #tpu.memory_space<vmem>>) offsets(%dma_start3A_234 : memref<100xi32, #tpu.memory_space<vmem>>) semaphore(%arg12 : memref<!tpu.dma_semaphore, #tpu.memory_space<semaphore_mem>>)
      %dma_start3A_238 = arith.constant 3 : i32
      %dma_start3A_239 = arith.constant 1 : i32
      %dma_start3A_240 = arith.constant 0 : i32
      %dma_start3A_241 = arith.constant 0 : i32
      %dma_start3A_242 = tpu.memref_slice %arg9[%dma_start3A_239, %dma_start3A_240, %dma_start3A_241] : memref<4x200x64xf32, #tpu.memory_space<vmem>> -> memref<1x200x64xf32, #tpu.memory_space<vmem>>
      %dma_start3A_243 = tpu.memref_squeeze %dma_start3A_242 : memref<1x200x64xf32, #tpu.memory_space<vmem>> -> memref<200x64xf32, #tpu.memory_space<vmem>>
      %dma_start3A_244 = arith.constant 100 : i32
      %dma_start3A_245 = arith.constant 0 : i32
      %dma_start3A_246 = tpu.memref_slice %dma_start3A_243[%dma_start3A_244, %dma_start3A_245] : memref<200x64xf32, #tpu.memory_space<vmem>> -> memref<100x64xf32, #tpu.memory_space<vmem>>
      %dma_start3A_247 = arith.constant 0 : i32
      %dma_start3A_248 = tpu.memref_slice %arg7[%dma_start3A_238, %dma_start3A_247] : memref<8x100xi32, #tpu.memory_space<vmem>> -> memref<1x100xi32, #tpu.memory_space<vmem>>
      %dma_start3A_249 = tpu.memref_squeeze %dma_start3A_248 : memref<1x100xi32, #tpu.memory_space<vmem>> -> memref<100xi32, #tpu.memory_space<vmem>>
      %dma_start3A_250 = arith.constant 0 : i32
      %dma_start3A_251 = arith.constant 0 : i32
      %dma_start3A_252 = tpu.memref_slice %arg3[%dma_start3A_250, %dma_start3A_251] : memref<100000x64xf32, #tpu.memory_space<hbm>> -> memref<100000x64xf32, #tpu.memory_space<hbm>>
      tpu.enqueue_indirect_dma source(%dma_start3A_252 : memref<100000x64xf32, #tpu.memory_space<hbm>>) target(%dma_start3A_246 : memref<100x64xf32, #tpu.memory_space<vmem>>) offsets(%dma_start3A_249 : memref<100xi32, #tpu.memory_space<vmem>>) semaphore(%arg12 : memref<!tpu.dma_semaphore, #tpu.memory_space<semaphore_mem>>)
      %dma_start3A_253 = arith.constant 4 : i32
      %dma_start3A_254 = arith.constant 2 : i32
      %dma_start3A_255 = arith.constant 0 : i32
      %dma_start3A_256 = arith.constant 0 : i32
      %dma_start3A_257 = tpu.memref_slice %arg9[%dma_start3A_254, %dma_start3A_255, %dma_start3A_256] : memref<4x200x64xf32, #tpu.memory_space<vmem>> -> memref<1x200x64xf32, #tpu.memory_space<vmem>>
      %dma_start3A_258 = tpu.memref_squeeze %dma_start3A_257 : memref<1x200x64xf32, #tpu.memory_space<vmem>> -> memref<200x64xf32, #tpu.memory_space<vmem>>
      %dma_start3A_259 = arith.constant 0 : i32
      %dma_start3A_260 = arith.constant 0 : i32
      %dma_start3A_261 = tpu.memref_slice %dma_start3A_258[%dma_start3A_259, %dma_start3A_260] : memref<200x64xf32, #tpu.memory_space<vmem>> -> memref<100x64xf32, #tpu.memory_space<vmem>>
      %dma_start3A_262 = arith.constant 0 : i32
      %dma_start3A_263 = tpu.memref_slice %arg7[%dma_start3A_253, %dma_start3A_262] : memref<8x100xi32, #tpu.memory_space<vmem>> -> memref<1x100xi32, #tpu.memory_space<vmem>>
      %dma_start3A_264 = tpu.memref_squeeze %dma_start3A_263 : memref<1x100xi32, #tpu.memory_space<vmem>> -> memref<100xi32, #tpu.memory_space<vmem>>
      %dma_start3A_265 = arith.constant 0 : i32
      %dma_start3A_266 = arith.constant 0 : i32
      %dma_start3A_267 = tpu.memref_slice %arg3[%dma_start3A_265, %dma_start3A_266] : memref<100000x64xf32, #tpu.memory_space<hbm>> -> memref<100000x64xf32, #tpu.memory_space<hbm>>
      tpu.enqueue_indirect_dma source(%dma_start3A_267 : memref<100000x64xf32, #tpu.memory_space<hbm>>) target(%dma_start3A_261 : memref<100x64xf32, #tpu.memory_space<vmem>>) offsets(%dma_start3A_264 : memref<100xi32, #tpu.memory_space<vmem>>) semaphore(%arg12 : memref<!tpu.dma_semaphore, #tpu.memory_space<semaphore_mem>>)
      %dma_start3A_268 = arith.constant 5 : i32
      %dma_start3A_269 = arith.constant 2 : i32
      %dma_start3A_270 = arith.constant 0 : i32
      %dma_start3A_271 = arith.constant 0 : i32
      %dma_start3A_272 = tpu.memref_slice %arg9[%dma_start3A_269, %dma_start3A_270, %dma_start3A_271] : memref<4x200x64xf32, #tpu.memory_space<vmem>> -> memref<1x200x64xf32, #tpu.memory_space<vmem>>
      %dma_start3A_273 = tpu.memref_squeeze %dma_start3A_272 : memref<1x200x64xf32, #tpu.memory_space<vmem>> -> memref<200x64xf32, #tpu.memory_space<vmem>>
      %dma_start3A_274 = arith.constant 100 : i32
      %dma_start3A_275 = arith.constant 0 : i32
      %dma_start3A_276 = tpu.memref_slice %dma_start3A_273[%dma_start3A_274, %dma_start3A_275] : memref<200x64xf32, #tpu.memory_space<vmem>> -> memref<100x64xf32, #tpu.memory_space<vmem>>
      %dma_start3A_277 = arith.constant 0 : i32
      %dma_start3A_278 = tpu.memref_slice %arg7[%dma_start3A_268, %dma_start3A_277] : memref<8x100xi32, #tpu.memory_space<vmem>> -> memref<1x100xi32, #tpu.memory_space<vmem>>
      %dma_start3A_279 = tpu.memref_squeeze %dma_start3A_278 : memref<1x100xi32, #tpu.memory_space<vmem>> -> memref<100xi32, #tpu.memory_space<vmem>>
      %dma_start3A_280 = arith.constant 0 : i32
      %dma_start3A_281 = arith.constant 0 : i32
      %dma_start3A_282 = tpu.memref_slice %arg3[%dma_start3A_280, %dma_start3A_281] : memref<100000x64xf32, #tpu.memory_space<hbm>> -> memref<100000x64xf32, #tpu.memory_space<hbm>>
      tpu.enqueue_indirect_dma source(%dma_start3A_282 : memref<100000x64xf32, #tpu.memory_space<hbm>>) target(%dma_start3A_276 : memref<100x64xf32, #tpu.memory_space<vmem>>) offsets(%dma_start3A_279 : memref<100xi32, #tpu.memory_space<vmem>>) semaphore(%arg12 : memref<!tpu.dma_semaphore, #tpu.memory_space<semaphore_mem>>)
      %dma_start3A_283 = arith.constant 6 : i32
      %dma_start3A_284 = arith.constant 3 : i32
      %dma_start3A_285 = arith.constant 0 : i32
      %dma_start3A_286 = arith.constant 0 : i32
      %dma_start3A_287 = tpu.memref_slice %arg9[%dma_start3A_284, %dma_start3A_285, %dma_start3A_286] : memref<4x200x64xf32, #tpu.memory_space<vmem>> -> memref<1x200x64xf32, #tpu.memory_space<vmem>>
      %dma_start3A_288 = tpu.memref_squeeze %dma_start3A_287 : memref<1x200x64xf32, #tpu.memory_space<vmem>> -> memref<200x64xf32, #tpu.memory_space<vmem>>
      %dma_start3A_289 = arith.constant 0 : i32
      %dma_start3A_290 = arith.constant 0 : i32
      %dma_start3A_291 = tpu.memref_slice %dma_start3A_288[%dma_start3A_289, %dma_start3A_290] : memref<200x64xf32, #tpu.memory_space<vmem>> -> memref<100x64xf32, #tpu.memory_space<vmem>>
      %dma_start3A_292 = arith.constant 0 : i32
      %dma_start3A_293 = tpu.memref_slice %arg7[%dma_start3A_283, %dma_start3A_292] : memref<8x100xi32, #tpu.memory_space<vmem>> -> memref<1x100xi32, #tpu.memory_space<vmem>>
      %dma_start3A_294 = tpu.memref_squeeze %dma_start3A_293 : memref<1x100xi32, #tpu.memory_space<vmem>> -> memref<100xi32, #tpu.memory_space<vmem>>
      %dma_start3A_295 = arith.constant 0 : i32
      %dma_start3A_296 = arith.constant 0 : i32
      %dma_start3A_297 = tpu.memref_slice %arg3[%dma_start3A_295, %dma_start3A_296] : memref<100000x64xf32, #tpu.memory_space<hbm>> -> memref<100000x64xf32, #tpu.memory_space<hbm>>
      tpu.enqueue_indirect_dma source(%dma_start3A_297 : memref<100000x64xf32, #tpu.memory_space<hbm>>) target(%dma_start3A_291 : memref<100x64xf32, #tpu.memory_space<vmem>>) offsets(%dma_start3A_294 : memref<100xi32, #tpu.memory_space<vmem>>) semaphore(%arg12 : memref<!tpu.dma_semaphore, #tpu.memory_space<semaphore_mem>>)
      %dma_start3A_298 = arith.constant 7 : i32
      %dma_start3A_299 = arith.constant 3 : i32
      %dma_start3A_300 = arith.constant 0 : i32
      %dma_start3A_301 = arith.constant 0 : i32
      %dma_start3A_302 = tpu.memref_slice %arg9[%dma_start3A_299, %dma_start3A_300, %dma_start3A_301] : memref<4x200x64xf32, #tpu.memory_space<vmem>> -> memref<1x200x64xf32, #tpu.memory_space<vmem>>
      %dma_start3A_303 = tpu.memref_squeeze %dma_start3A_302 : memref<1x200x64xf32, #tpu.memory_space<vmem>> -> memref<200x64xf32, #tpu.memory_space<vmem>>
      %dma_start3A_304 = arith.constant 100 : i32
      %dma_start3A_305 = arith.constant 0 : i32
      %dma_start3A_306 = tpu.memref_slice %dma_start3A_303[%dma_start3A_304, %dma_start3A_305] : memref<200x64xf32, #tpu.memory_space<vmem>> -> memref<100x64xf32, #tpu.memory_space<vmem>>
      %dma_start3A_307 = arith.constant 0 : i32
      %dma_start3A_308 = tpu.memref_slice %arg7[%dma_start3A_298, %dma_start3A_307] : memref<8x100xi32, #tpu.memory_space<vmem>> -> memref<1x100xi32, #tpu.memory_space<vmem>>
      %dma_start3A_309 = tpu.memref_squeeze %dma_start3A_308 : memref<1x100xi32, #tpu.memory_space<vmem>> -> memref<100xi32, #tpu.memory_space<vmem>>
      %dma_start3A_310 = arith.constant 0 : i32
      %dma_start3A_311 = arith.constant 0 : i32
      %dma_start3A_312 = tpu.memref_slice %arg3[%dma_start3A_310, %dma_start3A_311] : memref<100000x64xf32, #tpu.memory_space<hbm>> -> memref<100000x64xf32, #tpu.memory_space<hbm>>
      tpu.enqueue_indirect_dma source(%dma_start3A_312 : memref<100000x64xf32, #tpu.memory_space<hbm>>) target(%dma_start3A_306 : memref<100x64xf32, #tpu.memory_space<vmem>>) offsets(%dma_start3A_309 : memref<100xi32, #tpu.memory_space<vmem>>) semaphore(%arg12 : memref<!tpu.dma_semaphore, #tpu.memory_space<semaphore_mem>>)
      %dma_wait3A_313 = arith.constant 0 : i32
      %dma_wait3A_314 = arith.constant 0 : i32
      %dma_wait3A_315 = arith.constant 0 : i32
      %dma_wait3A_316 = tpu.memref_slice %arg5[%dma_wait3A_313, %dma_wait3A_314, %dma_wait3A_315] : memref<4096x200x64xf32, #tpu.memory_space<hbm>> -> memref<4x200x64xf32, #tpu.memory_space<hbm>>
      %dma_wait3A_317 = arith.constant 0 : i32
      %dma_wait3A_318 = arith.constant 0 : i32
      %dma_wait3A_319 = arith.constant 0 : i32
      %dma_wait3A_320 = tpu.memref_slice %arg5[%dma_wait3A_317, %dma_wait3A_318, %dma_wait3A_319] : memref<4096x200x64xf32, #tpu.memory_space<hbm>> -> memref<4x200x64xf32, #tpu.memory_space<hbm>>
      tpu.wait_dma2 semaphore(%arg11 : memref<!tpu.dma_semaphore, #tpu.memory_space<semaphore_mem>>) src(%dma_wait3A_320 : memref<4x200x64xf32, #tpu.memory_space<hbm>>) dst(%arg8 : memref<4x200x64xf32, #tpu.memory_space<vmem>>)
      %scan3A_321 = arith.constant 0 : i32
      %scan3A_322 = arith.constant 0 : i32
      %scan3A_323 = arith.constant 200 : i32
      %scan3A_324 = arith.addi %scan3A_322, %scan3A_323 : i32
      %scan3A_325 = arith.constant 1 : i32
      scf.for %scan3A_371 = %scan3A_322 to %scan3A_324 step %scan3A_325  : i32 {
        %get3A = arith.index_cast %scan3A_371 : i32 to index
        %get3A_372 = arith.constant 0 : index
        %get3A_373 = tpu.vector_load %arg10[%get3A, %get3A_372] {strides = array<i32>} : memref<200x64xf32, #tpu.memory_space<vmem>>, vector<1x16xf32>,
        %get3A_374 = vector.shape_cast %get3A_373 : vector<1x16xf32> to vector<16xf32>
        %get3A_375 = arith.constant 0 : i32
        %get3A_376 = arith.index_cast %get3A_375 : i32 to index
        %get3A_377 = arith.index_cast %scan3A_371 : i32 to index
        %get3A_378 = arith.constant 0 : index
        %get3A_379 = tpu.vector_load %arg8[%get3A_376, %get3A_377, %get3A_378] {strides = array<i32>} : memref<4x200x64xf32, #tpu.memory_space<vmem>>, vector<1x1x16xf32>,
        %get3A_380 = vector.shape_cast %get3A_379 : vector<1x1x16xf32> to vector<16xf32>
        %add3A_381 = arith.addf %get3A_380, %get3A_374 : vector<16xf32>
        %swap3A = arith.constant 0 : i32
        %swap3A_382 = arith.index_cast %swap3A : i32 to index
        %swap3A_383 = arith.index_cast %scan3A_371 : i32 to index
        %swap3A_384 = arith.constant 0 : index
        %swap3A_385 = tpu.vector_load %arg8[%swap3A_382, %swap3A_383, %swap3A_384] {strides = array<i32>} : memref<4x200x64xf32, #tpu.memory_space<vmem>>, vector<1x1x16xf32>,
        %swap3A_386 = vector.shape_cast %swap3A_385 : vector<1x1x16xf32> to vector<16xf32>
        %swap3A_387 = vector.shape_cast %add3A_381 : vector<16xf32> to vector<1x1x16xf32>
        tpu.vector_store %arg8[%swap3A_382, %swap3A_383, %swap3A_384], %swap3A_387 {strides = array<i32>} : memref<4x200x64xf32, #tpu.memory_space<vmem>>, vector<1x1x16xf32>,
        %get3A_388 = arith.constant 1 : i32
        %get3A_389 = arith.index_cast %get3A_388 : i32 to index
        %get3A_390 = arith.index_cast %scan3A_371 : i32 to index
        %get3A_391 = arith.constant 0 : index
        %get3A_392 = tpu.vector_load %arg8[%get3A_389, %get3A_390, %get3A_391] {strides = array<i32>} : memref<4x200x64xf32, #tpu.memory_space<vmem>>, vector<1x1x16xf32>,
        %get3A_393 = vector.shape_cast %get3A_392 : vector<1x1x16xf32> to vector<16xf32>
        %add3A_394 = arith.addf %get3A_393, %get3A_374 : vector<16xf32>
        %swap3A_395 = arith.constant 1 : i32
        %swap3A_396 = arith.index_cast %swap3A_395 : i32 to index
        %swap3A_397 = arith.index_cast %scan3A_371 : i32 to index
        %swap3A_398 = arith.constant 0 : index
        %swap3A_399 = tpu.vector_load %arg8[%swap3A_396, %swap3A_397, %swap3A_398] {strides = array<i32>} : memref<4x200x64xf32, #tpu.memory_space<vmem>>, vector<1x1x16xf32>,
        %swap3A_400 = vector.shape_cast %swap3A_399 : vector<1x1x16xf32> to vector<16xf32>
        %swap3A_401 = vector.shape_cast %add3A_394 : vector<16xf32> to vector<1x1x16xf32>
        tpu.vector_store %arg8[%swap3A_396, %swap3A_397, %swap3A_398], %swap3A_401 {strides = array<i32>} : memref<4x200x64xf32, #tpu.memory_space<vmem>>, vector<1x1x16xf32>,
        %get3A_402 = arith.constant 2 : i32
        %get3A_403 = arith.index_cast %get3A_402 : i32 to index
        %get3A_404 = arith.index_cast %scan3A_371 : i32 to index
        %get3A_405 = arith.constant 0 : index
        %get3A_406 = tpu.vector_load %arg8[%get3A_403, %get3A_404, %get3A_405] {strides = array<i32>} : memref<4x200x64xf32, #tpu.memory_space<vmem>>, vector<1x1x16xf32>,
        %get3A_407 = vector.shape_cast %get3A_406 : vector<1x1x16xf32> to vector<16xf32>
        %add3A_408 = arith.addf %get3A_407, %get3A_374 : vector<16xf32>
        %swap3A_409 = arith.constant 2 : i32
        %swap3A_410 = arith.index_cast %swap3A_409 : i32 to index
        %swap3A_411 = arith.index_cast %scan3A_371 : i32 to index
        %swap3A_412 = arith.constant 0 : index
        %swap3A_413 = tpu.vector_load %arg8[%swap3A_410, %swap3A_411, %swap3A_412] {strides = array<i32>} : memref<4x200x64xf32, #tpu.memory_space<vmem>>, vector<1x1x16xf32>,
        %swap3A_414 = vector.shape_cast %swap3A_413 : vector<1x1x16xf32> to vector<16xf32>
        %swap3A_415 = vector.shape_cast %add3A_408 : vector<16xf32> to vector<1x1x16xf32>
        tpu.vector_store %arg8[%swap3A_410, %swap3A_411, %swap3A_412], %swap3A_415 {strides = array<i32>} : memref<4x200x64xf32, #tpu.memory_space<vmem>>, vector<1x1x16xf32>,
        %get3A_416 = arith.constant 3 : i32
        %get3A_417 = arith.index_cast %get3A_416 : i32 to index
        %get3A_418 = arith.index_cast %scan3A_371 : i32 to index
        %get3A_419 = arith.constant 0 : index
        %get3A_420 = tpu.vector_load %arg8[%get3A_417, %get3A_418, %get3A_419] {strides = array<i32>} : memref<4x200x64xf32, #tpu.memory_space<vmem>>, vector<1x1x16xf32>,
        %get3A_421 = vector.shape_cast %get3A_420 : vector<1x1x16xf32> to vector<16xf32>
        %add3A_422 = arith.addf %get3A_421, %get3A_374 : vector<16xf32>
        %swap3A_423 = arith.constant 3 : i32
        %swap3A_424 = arith.index_cast %swap3A_423 : i32 to index
        %swap3A_425 = arith.index_cast %scan3A_371 : i32 to index
        %swap3A_426 = arith.constant 0 : index
        %swap3A_427 = tpu.vector_load %arg8[%swap3A_424, %swap3A_425, %swap3A_426] {strides = array<i32>} : memref<4x200x64xf32, #tpu.memory_space<vmem>>, vector<1x1x16xf32>,
        %swap3A_428 = vector.shape_cast %swap3A_427 : vector<1x1x16xf32> to vector<16xf32>
        %swap3A_429 = vector.shape_cast %add3A_422 : vector<16xf32> to vector<1x1x16xf32>
        tpu.vector_store %arg8[%swap3A_424, %swap3A_425, %swap3A_426], %swap3A_429 {strides = array<i32>} : memref<4x200x64xf32, #tpu.memory_space<vmem>>, vector<1x1x16xf32>,
        %get3A_430 = arith.index_cast %scan3A_371 : i32 to index
        %get3A_431 = arith.constant 16 : index
        %get3A_432 = tpu.vector_load %arg10[%get3A_430, %get3A_431] {strides = array<i32>} : memref<200x64xf32, #tpu.memory_space<vmem>>, vector<1x16xf32>,
        %get3A_433 = vector.shape_cast %get3A_432 : vector<1x16xf32> to vector<16xf32>
        %get3A_434 = arith.constant 0 : i32
        %get3A_435 = arith.index_cast %get3A_434 : i32 to index
        %get3A_436 = arith.index_cast %scan3A_371 : i32 to index
        %get3A_437 = arith.constant 16 : index
        %get3A_438 = tpu.vector_load %arg8[%get3A_435, %get3A_436, %get3A_437] {strides = array<i32>} : memref<4x200x64xf32, #tpu.memory_space<vmem>>, vector<1x1x16xf32>,
        %get3A_439 = vector.shape_cast %get3A_438 : vector<1x1x16xf32> to vector<16xf32>
        %add3A_440 = arith.addf %get3A_439, %get3A_433 : vector<16xf32>
        %swap3A_441 = arith.constant 0 : i32
        %swap3A_442 = arith.index_cast %swap3A_441 : i32 to index
        %swap3A_443 = arith.index_cast %scan3A_371 : i32 to index
        %swap3A_444 = arith.constant 16 : index
        %swap3A_445 = tpu.vector_load %arg8[%swap3A_442, %swap3A_443, %swap3A_444] {strides = array<i32>} : memref<4x200x64xf32, #tpu.memory_space<vmem>>, vector<1x1x16xf32>,
        %swap3A_446 = vector.shape_cast %swap3A_445 : vector<1x1x16xf32> to vector<16xf32>
        %swap3A_447 = vector.shape_cast %add3A_440 : vector<16xf32> to vector<1x1x16xf32>
        tpu.vector_store %arg8[%swap3A_442, %swap3A_443, %swap3A_444], %swap3A_447 {strides = array<i32>} : memref<4x200x64xf32, #tpu.memory_space<vmem>>, vector<1x1x16xf32>,
        %get3A_448 = arith.constant 1 : i32
        %get3A_449 = arith.index_cast %get3A_448 : i32 to index
        %get3A_450 = arith.index_cast %scan3A_371 : i32 to index
        %get3A_451 = arith.constant 16 : index
        %get3A_452 = tpu.vector_load %arg8[%get3A_449, %get3A_450, %get3A_451] {strides = array<i32>} : memref<4x200x64xf32, #tpu.memory_space<vmem>>, vector<1x1x16xf32>,
        %get3A_453 = vector.shape_cast %get3A_452 : vector<1x1x16xf32> to vector<16xf32>
        %add3A_454 = arith.addf %get3A_453, %get3A_433 : vector<16xf32>
        %swap3A_455 = arith.constant 1 : i32
        %swap3A_456 = arith.index_cast %swap3A_455 : i32 to index
        %swap3A_457 = arith.index_cast %scan3A_371 : i32 to index
        %swap3A_458 = arith.constant 16 : index
        %swap3A_459 = tpu.vector_load %arg8[%swap3A_456, %swap3A_457, %swap3A_458] {strides = array<i32>} : memref<4x200x64xf32, #tpu.memory_space<vmem>>, vector<1x1x16xf32>,
        %swap3A_460 = vector.shape_cast %swap3A_459 : vector<1x1x16xf32> to vector<16xf32>
        %swap3A_461 = vector.shape_cast %add3A_454 : vector<16xf32> to vector<1x1x16xf32>
        tpu.vector_store %arg8[%swap3A_456, %swap3A_457, %swap3A_458], %swap3A_461 {strides = array<i32>} : memref<4x200x64xf32, #tpu.memory_space<vmem>>, vector<1x1x16xf32>,
        %get3A_462 = arith.constant 2 : i32
        %get3A_463 = arith.index_cast %get3A_462 : i32 to index
        %get3A_464 = arith.index_cast %scan3A_371 : i32 to index
        %get3A_465 = arith.constant 16 : index
        %get3A_466 = tpu.vector_load %arg8[%get3A_463, %get3A_464, %get3A_465] {strides = array<i32>} : memref<4x200x64xf32, #tpu.memory_space<vmem>>, vector<1x1x16xf32>,
        %get3A_467 = vector.shape_cast %get3A_466 : vector<1x1x16xf32> to vector<16xf32>
        %add3A_468 = arith.addf %get3A_467, %get3A_433 : vector<16xf32>
        %swap3A_469 = arith.constant 2 : i32
        %swap3A_470 = arith.index_cast %swap3A_469 : i32 to index
        %swap3A_471 = arith.index_cast %scan3A_371 : i32 to index
        %swap3A_472 = arith.constant 16 : index
        %swap3A_473 = tpu.vector_load %arg8[%swap3A_470, %swap3A_471, %swap3A_472] {strides = array<i32>} : memref<4x200x64xf32, #tpu.memory_space<vmem>>, vector<1x1x16xf32>,
        %swap3A_474 = vector.shape_cast %swap3A_473 : vector<1x1x16xf32> to vector<16xf32>
        %swap3A_475 = vector.shape_cast %add3A_468 : vector<16xf32> to vector<1x1x16xf32>
        tpu.vector_store %arg8[%swap3A_470, %swap3A_471, %swap3A_472], %swap3A_475 {strides = array<i32>} : memref<4x200x64xf32, #tpu.memory_space<vmem>>, vector<1x1x16xf32>,
        %get3A_476 = arith.constant 3 : i32
        %get3A_477 = arith.index_cast %get3A_476 : i32 to index
        %get3A_478 = arith.index_cast %scan3A_371 : i32 to index
        %get3A_479 = arith.constant 16 : index
        %get3A_480 = tpu.vector_load %arg8[%get3A_477, %get3A_478, %get3A_479] {strides = array<i32>} : memref<4x200x64xf32, #tpu.memory_space<vmem>>, vector<1x1x16xf32>,
        %get3A_481 = vector.shape_cast %get3A_480 : vector<1x1x16xf32> to vector<16xf32>
        %add3A_482 = arith.addf %get3A_481, %get3A_433 : vector<16xf32>
        %swap3A_483 = arith.constant 3 : i32
        %swap3A_484 = arith.index_cast %swap3A_483 : i32 to index
        %swap3A_485 = arith.index_cast %scan3A_371 : i32 to index
        %swap3A_486 = arith.constant 16 : index
        %swap3A_487 = tpu.vector_load %arg8[%swap3A_484, %swap3A_485, %swap3A_486] {strides = array<i32>} : memref<4x200x64xf32, #tpu.memory_space<vmem>>, vector<1x1x16xf32>,
        %swap3A_488 = vector.shape_cast %swap3A_487 : vector<1x1x16xf32> to vector<16xf32>
        %swap3A_489 = vector.shape_cast %add3A_482 : vector<16xf32> to vector<1x1x16xf32>
        tpu.vector_store %arg8[%swap3A_484, %swap3A_485, %swap3A_486], %swap3A_489 {strides = array<i32>} : memref<4x200x64xf32, #tpu.memory_space<vmem>>, vector<1x1x16xf32>,
        %get3A_490 = arith.index_cast %scan3A_371 : i32 to index
        %get3A_491 = arith.constant 32 : index
        %get3A_492 = tpu.vector_load %arg10[%get3A_490, %get3A_491] {strides = array<i32>} : memref<200x64xf32, #tpu.memory_space<vmem>>, vector<1x16xf32>,
        %get3A_493 = vector.shape_cast %get3A_492 : vector<1x16xf32> to vector<16xf32>
        %get3A_494 = arith.constant 0 : i32
        %get3A_495 = arith.index_cast %get3A_494 : i32 to index
        %get3A_496 = arith.index_cast %scan3A_371 : i32 to index
        %get3A_497 = arith.constant 32 : index
        %get3A_498 = tpu.vector_load %arg8[%get3A_495, %get3A_496, %get3A_497] {strides = array<i32>} : memref<4x200x64xf32, #tpu.memory_space<vmem>>, vector<1x1x16xf32>,
        %get3A_499 = vector.shape_cast %get3A_498 : vector<1x1x16xf32> to vector<16xf32>
        %add3A_500 = arith.addf %get3A_499, %get3A_493 : vector<16xf32>
        %swap3A_501 = arith.constant 0 : i32
        %swap3A_502 = arith.index_cast %swap3A_501 : i32 to index
        %swap3A_503 = arith.index_cast %scan3A_371 : i32 to index
        %swap3A_504 = arith.constant 32 : index
        %swap3A_505 = tpu.vector_load %arg8[%swap3A_502, %swap3A_503, %swap3A_504] {strides = array<i32>} : memref<4x200x64xf32, #tpu.memory_space<vmem>>, vector<1x1x16xf32>,
        %swap3A_506 = vector.shape_cast %swap3A_505 : vector<1x1x16xf32> to vector<16xf32>
        %swap3A_507 = vector.shape_cast %add3A_500 : vector<16xf32> to vector<1x1x16xf32>
        tpu.vector_store %arg8[%swap3A_502, %swap3A_503, %swap3A_504], %swap3A_507 {strides = array<i32>} : memref<4x200x64xf32, #tpu.memory_space<vmem>>, vector<1x1x16xf32>,
        %get3A_508 = arith.constant 1 : i32
        %get3A_509 = arith.index_cast %get3A_508 : i32 to index
        %get3A_510 = arith.index_cast %scan3A_371 : i32 to index
        %get3A_511 = arith.constant 32 : index
        %get3A_512 = tpu.vector_load %arg8[%get3A_509, %get3A_510, %get3A_511] {strides = array<i32>} : memref<4x200x64xf32, #tpu.memory_space<vmem>>, vector<1x1x16xf32>,
        %get3A_513 = vector.shape_cast %get3A_512 : vector<1x1x16xf32> to vector<16xf32>
        %add3A_514 = arith.addf %get3A_513, %get3A_493 : vector<16xf32>
        %swap3A_515 = arith.constant 1 : i32
        %swap3A_516 = arith.index_cast %swap3A_515 : i32 to index
        %swap3A_517 = arith.index_cast %scan3A_371 : i32 to index
        %swap3A_518 = arith.constant 32 : index
        %swap3A_519 = tpu.vector_load %arg8[%swap3A_516, %swap3A_517, %swap3A_518] {strides = array<i32>} : memref<4x200x64xf32, #tpu.memory_space<vmem>>, vector<1x1x16xf32>,
        %swap3A_520 = vector.shape_cast %swap3A_519 : vector<1x1x16xf32> to vector<16xf32>
        %swap3A_521 = vector.shape_cast %add3A_514 : vector<16xf32> to vector<1x1x16xf32>
        tpu.vector_store %arg8[%swap3A_516, %swap3A_517, %swap3A_518], %swap3A_521 {strides = array<i32>} : memref<4x200x64xf32, #tpu.memory_space<vmem>>, vector<1x1x16xf32>,
        %get3A_522 = arith.constant 2 : i32
        %get3A_523 = arith.index_cast %get3A_522 : i32 to index
        %get3A_524 = arith.index_cast %scan3A_371 : i32 to index
        %get3A_525 = arith.constant 32 : index
        %get3A_526 = tpu.vector_load %arg8[%get3A_523, %get3A_524, %get3A_525] {strides = array<i32>} : memref<4x200x64xf32, #tpu.memory_space<vmem>>, vector<1x1x16xf32>,
        %get3A_527 = vector.shape_cast %get3A_526 : vector<1x1x16xf32> to vector<16xf32>
        %add3A_528 = arith.addf %get3A_527, %get3A_493 : vector<16xf32>
        %swap3A_529 = arith.constant 2 : i32
        %swap3A_530 = arith.index_cast %swap3A_529 : i32 to index
        %swap3A_531 = arith.index_cast %scan3A_371 : i32 to index
        %swap3A_532 = arith.constant 32 : index
        %swap3A_533 = tpu.vector_load %arg8[%swap3A_530, %swap3A_531, %swap3A_532] {strides = array<i32>} : memref<4x200x64xf32, #tpu.memory_space<vmem>>, vector<1x1x16xf32>,
        %swap3A_534 = vector.shape_cast %swap3A_533 : vector<1x1x16xf32> to vector<16xf32>
        %swap3A_535 = vector.shape_cast %add3A_528 : vector<16xf32> to vector<1x1x16xf32>
        tpu.vector_store %arg8[%swap3A_530, %swap3A_531, %swap3A_532], %swap3A_535 {strides = array<i32>} : memref<4x200x64xf32, #tpu.memory_space<vmem>>, vector<1x1x16xf32>,
        %get3A_536 = arith.constant 3 : i32
        %get3A_537 = arith.index_cast %get3A_536 : i32 to index
        %get3A_538 = arith.index_cast %scan3A_371 : i32 to index
        %get3A_539 = arith.constant 32 : index
        %get3A_540 = tpu.vector_load %arg8[%get3A_537, %get3A_538, %get3A_539] {strides = array<i32>} : memref<4x200x64xf32, #tpu.memory_space<vmem>>, vector<1x1x16xf32>,
        %get3A_541 = vector.shape_cast %get3A_540 : vector<1x1x16xf32> to vector<16xf32>
        %add3A_542 = arith.addf %get3A_541, %get3A_493 : vector<16xf32>
        %swap3A_543 = arith.constant 3 : i32
        %swap3A_544 = arith.index_cast %swap3A_543 : i32 to index
        %swap3A_545 = arith.index_cast %scan3A_371 : i32 to index
        %swap3A_546 = arith.constant 32 : index
        %swap3A_547 = tpu.vector_load %arg8[%swap3A_544, %swap3A_545, %swap3A_546] {strides = array<i32>} : memref<4x200x64xf32, #tpu.memory_space<vmem>>, vector<1x1x16xf32>,
        %swap3A_548 = vector.shape_cast %swap3A_547 : vector<1x1x16xf32> to vector<16xf32>
        %swap3A_549 = vector.shape_cast %add3A_542 : vector<16xf32> to vector<1x1x16xf32>
        tpu.vector_store %arg8[%swap3A_544, %swap3A_545, %swap3A_546], %swap3A_549 {strides = array<i32>} : memref<4x200x64xf32, #tpu.memory_space<vmem>>, vector<1x1x16xf32>,
        %get3A_550 = arith.index_cast %scan3A_371 : i32 to index
        %get3A_551 = arith.constant 48 : index
        %get3A_552 = tpu.vector_load %arg10[%get3A_550, %get3A_551] {strides = array<i32>} : memref<200x64xf32, #tpu.memory_space<vmem>>, vector<1x16xf32>,
        %get3A_553 = vector.shape_cast %get3A_552 : vector<1x16xf32> to vector<16xf32>
        %get3A_554 = arith.constant 0 : i32
        %get3A_555 = arith.index_cast %get3A_554 : i32 to index
        %get3A_556 = arith.index_cast %scan3A_371 : i32 to index
        %get3A_557 = arith.constant 48 : index
        %get3A_558 = tpu.vector_load %arg8[%get3A_555, %get3A_556, %get3A_557] {strides = array<i32>} : memref<4x200x64xf32, #tpu.memory_space<vmem>>, vector<1x1x16xf32>,
        %get3A_559 = vector.shape_cast %get3A_558 : vector<1x1x16xf32> to vector<16xf32>
        %add3A_560 = arith.addf %get3A_559, %get3A_553 : vector<16xf32>
        %swap3A_561 = arith.constant 0 : i32
        %swap3A_562 = arith.index_cast %swap3A_561 : i32 to index
        %swap3A_563 = arith.index_cast %scan3A_371 : i32 to index
        %swap3A_564 = arith.constant 48 : index
        %swap3A_565 = tpu.vector_load %arg8[%swap3A_562, %swap3A_563, %swap3A_564] {strides = array<i32>} : memref<4x200x64xf32, #tpu.memory_space<vmem>>, vector<1x1x16xf32>,
        %swap3A_566 = vector.shape_cast %swap3A_565 : vector<1x1x16xf32> to vector<16xf32>
        %swap3A_567 = vector.shape_cast %add3A_560 : vector<16xf32> to vector<1x1x16xf32>
        tpu.vector_store %arg8[%swap3A_562, %swap3A_563, %swap3A_564], %swap3A_567 {strides = array<i32>} : memref<4x200x64xf32, #tpu.memory_space<vmem>>, vector<1x1x16xf32>,
        %get3A_568 = arith.constant 1 : i32
        %get3A_569 = arith.index_cast %get3A_568 : i32 to index
        %get3A_570 = arith.index_cast %scan3A_371 : i32 to index
        %get3A_571 = arith.constant 48 : index
        %get3A_572 = tpu.vector_load %arg8[%get3A_569, %get3A_570, %get3A_571] {strides = array<i32>} : memref<4x200x64xf32, #tpu.memory_space<vmem>>, vector<1x1x16xf32>,
        %get3A_573 = vector.shape_cast %get3A_572 : vector<1x1x16xf32> to vector<16xf32>
        %add3A_574 = arith.addf %get3A_573, %get3A_553 : vector<16xf32>
        %swap3A_575 = arith.constant 1 : i32
        %swap3A_576 = arith.index_cast %swap3A_575 : i32 to index
        %swap3A_577 = arith.index_cast %scan3A_371 : i32 to index
        %swap3A_578 = arith.constant 48 : index
        %swap3A_579 = tpu.vector_load %arg8[%swap3A_576, %swap3A_577, %swap3A_578] {strides = array<i32>} : memref<4x200x64xf32, #tpu.memory_space<vmem>>, vector<1x1x16xf32>,
        %swap3A_580 = vector.shape_cast %swap3A_579 : vector<1x1x16xf32> to vector<16xf32>
        %swap3A_581 = vector.shape_cast %add3A_574 : vector<16xf32> to vector<1x1x16xf32>
        tpu.vector_store %arg8[%swap3A_576, %swap3A_577, %swap3A_578], %swap3A_581 {strides = array<i32>} : memref<4x200x64xf32, #tpu.memory_space<vmem>>, vector<1x1x16xf32>,
        %get3A_582 = arith.constant 2 : i32
        %get3A_583 = arith.index_cast %get3A_582 : i32 to index
        %get3A_584 = arith.index_cast %scan3A_371 : i32 to index
        %get3A_585 = arith.constant 48 : index
        %get3A_586 = tpu.vector_load %arg8[%get3A_583, %get3A_584, %get3A_585] {strides = array<i32>} : memref<4x200x64xf32, #tpu.memory_space<vmem>>, vector<1x1x16xf32>,
        %get3A_587 = vector.shape_cast %get3A_586 : vector<1x1x16xf32> to vector<16xf32>
        %add3A_588 = arith.addf %get3A_587, %get3A_553 : vector<16xf32>
        %swap3A_589 = arith.constant 2 : i32
        %swap3A_590 = arith.index_cast %swap3A_589 : i32 to index
        %swap3A_591 = arith.index_cast %scan3A_371 : i32 to index
        %swap3A_592 = arith.constant 48 : index
        %swap3A_593 = tpu.vector_load %arg8[%swap3A_590, %swap3A_591, %swap3A_592] {strides = array<i32>} : memref<4x200x64xf32, #tpu.memory_space<vmem>>, vector<1x1x16xf32>,
        %swap3A_594 = vector.shape_cast %swap3A_593 : vector<1x1x16xf32> to vector<16xf32>
        %swap3A_595 = vector.shape_cast %add3A_588 : vector<16xf32> to vector<1x1x16xf32>
        tpu.vector_store %arg8[%swap3A_590, %swap3A_591, %swap3A_592], %swap3A_595 {strides = array<i32>} : memref<4x200x64xf32, #tpu.memory_space<vmem>>, vector<1x1x16xf32>,
        %get3A_596 = arith.constant 3 : i32
        %get3A_597 = arith.index_cast %get3A_596 : i32 to index
        %get3A_598 = arith.index_cast %scan3A_371 : i32 to index
        %get3A_599 = arith.constant 48 : index
        %get3A_600 = tpu.vector_load %arg8[%get3A_597, %get3A_598, %get3A_599] {strides = array<i32>} : memref<4x200x64xf32, #tpu.memory_space<vmem>>, vector<1x1x16xf32>,
        %get3A_601 = vector.shape_cast %get3A_600 : vector<1x1x16xf32> to vector<16xf32>
        %add3A_602 = arith.addf %get3A_601, %get3A_553 : vector<16xf32>
        %swap3A_603 = arith.constant 3 : i32
        %swap3A_604 = arith.index_cast %swap3A_603 : i32 to index
        %swap3A_605 = arith.index_cast %scan3A_371 : i32 to index
        %swap3A_606 = arith.constant 48 : index
        %swap3A_607 = tpu.vector_load %arg8[%swap3A_604, %swap3A_605, %swap3A_606] {strides = array<i32>} : memref<4x200x64xf32, #tpu.memory_space<vmem>>, vector<1x1x16xf32>,
        %swap3A_608 = vector.shape_cast %swap3A_607 : vector<1x1x16xf32> to vector<16xf32>
        %swap3A_609 = vector.shape_cast %add3A_602 : vector<16xf32> to vector<1x1x16xf32>
        tpu.vector_store %arg8[%swap3A_604, %swap3A_605, %swap3A_606], %swap3A_609 {strides = array<i32>} : memref<4x200x64xf32, #tpu.memory_space<vmem>>, vector<1x1x16xf32>,
      }
      %scan3A_326 = arith.constant 200 : i32
      %mul3A_327 = arith.constant 4 : i32
      %mul3A_328 = arith.muli %mul3A_156, %mul3A_327 : i32
      %add3A_329 = arith.addi %mul3A_2, %mul3A_328 : i32
      %dma_start3A_330 = arith.constant 0 : i32
      %dma_start3A_331 = arith.constant 0 : i32
      %dma_start3A_332 = tpu.memref_slice %arg5[%add3A_329, %dma_start3A_330, %dma_start3A_331] : memref<4096x200x64xf32, #tpu.memory_space<hbm>> -> memref<4x200x64xf32, #tpu.memory_space<hbm>>
      %dma_start3A_333 = arith.constant 0 : i32
      %dma_start3A_334 = arith.constant 0 : i32
      %dma_start3A_335 = tpu.memref_slice %arg5[%add3A_329, %dma_start3A_333, %dma_start3A_334] : memref<4096x200x64xf32, #tpu.memory_space<hbm>> -> memref<4x200x64xf32, #tpu.memory_space<hbm>>
      tpu.enqueue_dma source(%arg8 : memref<4x200x64xf32, #tpu.memory_space<vmem>>) target(%dma_start3A_335 : memref<4x200x64xf32, #tpu.memory_space<hbm>>) target_semaphore(%arg13 : memref<!tpu.dma_semaphore, #tpu.memory_space<semaphore_mem>>)
      %dma_wait3A_336 = arith.constant 0 : i32
      %dma_wait3A_337 = arith.constant 0 : i32
      %dma_wait3A_338 = arith.constant 0 : i32
      %dma_wait3A_339 = tpu.memref_slice %arg5[%dma_wait3A_336, %dma_wait3A_337, %dma_wait3A_338] : memref<4096x200x64xf32, #tpu.memory_space<hbm>> -> memref<4x200x64xf32, #tpu.memory_space<hbm>>
      %dma_wait3A_340 = arith.constant 0 : i32
      %dma_wait3A_341 = arith.constant 0 : i32
      %dma_wait3A_342 = arith.constant 0 : i32
      %dma_wait3A_343 = tpu.memref_slice %arg5[%dma_wait3A_340, %dma_wait3A_341, %dma_wait3A_342] : memref<4096x200x64xf32, #tpu.memory_space<hbm>> -> memref<4x200x64xf32, #tpu.memory_space<hbm>>
      tpu.wait_dma2 semaphore(%arg13 : memref<!tpu.dma_semaphore, #tpu.memory_space<semaphore_mem>>) src(%arg8 : memref<4x200x64xf32, #tpu.memory_space<vmem>>) dst(%dma_wait3A_343 : memref<4x200x64xf32, #tpu.memory_space<hbm>>)
      %lt3A = arith.constant 15 : i32
      %lt3A_344 = arith.cmpi slt, %scan3A_154, %lt3A : i32
      %convert_element_type3A_345 = arith.extui %lt3A_344 : i1 to i32
      %cond3A_346 = arith.constant 0 : i32
      %cond3A_347 = arith.cmpi ne, %convert_element_type3A_345, %cond3A_346 : i32
      scf.if %cond3A_347 {
        %add3A_371 = arith.constant 1 : i32
        %add3A_372 = arith.addi %add3A_160, %add3A_371 : i32
        %mul3A_373 = arith.constant 4 : i32
        %mul3A_374 = arith.muli %add3A_372, %mul3A_373 : i32
        %add3A_375 = arith.addi %mul3A_2, %mul3A_374 : i32
        %mul3A_376 = arith.constant 200 : i32
        %mul3A_377 = arith.muli %add3A_375, %mul3A_376 : i32
        %jit3A_378 = arith.constant 100 : i32
        %div3A_379 = arith.divsi %mul3A_377, %jit3A_378 : i32
        %sign3A_380 = arith.constant 0 : i32
        %sign3A_381 = arith.cmpi sgt, %mul3A_377, %sign3A_380 : i32
        %sign3A_382 = arith.extui %sign3A_381 : i1 to i32
        %sign3A_383 = arith.constant 0 : i32
        %sign3A_384 = arith.cmpi slt, %mul3A_377, %sign3A_383 : i32
        %sign3A_385 = arith.extui %sign3A_384 : i1 to i32
        %sign3A_386 = arith.subi %sign3A_382, %sign3A_385 : i32
        %sign3A_387 = arith.constant 0 : i32
        %sign3A_388 = arith.cmpi sgt, %jit3A_378, %sign3A_387 : i32
        %sign3A_389 = arith.extui %sign3A_388 : i1 to i32
        %sign3A_390 = arith.constant 0 : i32
        %sign3A_391 = arith.cmpi slt, %jit3A_378, %sign3A_390 : i32
        %sign3A_392 = arith.extui %sign3A_391 : i1 to i32
        %sign3A_393 = arith.subi %sign3A_389, %sign3A_392 : i32
        %ne3A_394 = arith.cmpi ne, %sign3A_386, %sign3A_393 : i32
        %rem3A_395 = arith.remsi %mul3A_377, %jit3A_378 : i32
        %ne3A_396 = arith.constant 0 : i32
        %ne3A_397 = arith.cmpi ne, %rem3A_395, %ne3A_396 : i32
        %and3A_398 = arith.andi %ne3A_394, %ne3A_397 : i1
        %sub3A_399 = arith.constant 1 : i32
        %sub3A_400 = arith.subi %div3A_379, %sub3A_399 : i32
        %select_n3A_401 = arith.select %and3A_398, %sub3A_400, %div3A_379 : i32
        %multiple_of3A_402 = tpu.assume_multiple %select_n3A_401, 8 : i32
        "tpu.region"() ({
          %run_scoped3A = tpu.sem_alloc : memref<!tpu.dma_semaphore, #tpu.memory_space<semaphore_mem>>
          %dma_start3A_523 = arith.constant 0 : i32
          %dma_start3A_524 = tpu.memref_slice %arg2[%multiple_of3A_402, %dma_start3A_523] : memref<8192x100xi32, #tpu.memory_space<hbm>> -> memref<8x100xi32, #tpu.memory_space<hbm>>
          %dma_start3A_525 = arith.constant 0 : i32
          %dma_start3A_526 = tpu.memref_slice %arg2[%multiple_of3A_402, %dma_start3A_525] : memref<8192x100xi32, #tpu.memory_space<hbm>> -> memref<8x100xi32, #tpu.memory_space<hbm>>
          tpu.enqueue_dma source(%dma_start3A_526 : memref<8x100xi32, #tpu.memory_space<hbm>>) target(%arg6 : memref<8x100xi32, #tpu.memory_space<vmem>>) target_semaphore(%run_scoped3A : memref<!tpu.dma_semaphore, #tpu.memory_space<semaphore_mem>>)
          %dma_wait3A_527 = arith.constant 0 : i32
          %dma_wait3A_528 = tpu.memref_slice %arg2[%multiple_of3A_402, %dma_wait3A_527] : memref<8192x100xi32, #tpu.memory_space<hbm>> -> memref<8x100xi32, #tpu.memory_space<hbm>>
          %dma_wait3A_529 = arith.constant 0 : i32
          %dma_wait3A_530 = tpu.memref_slice %arg2[%multiple_of3A_402, %dma_wait3A_529] : memref<8192x100xi32, #tpu.memory_space<hbm>> -> memref<8x100xi32, #tpu.memory_space<hbm>>
          tpu.wait_dma2 semaphore(%run_scoped3A : memref<!tpu.dma_semaphore, #tpu.memory_space<semaphore_mem>>) src(%dma_wait3A_530 : memref<8x100xi32, #tpu.memory_space<hbm>>) dst(%arg6 : memref<8x100xi32, #tpu.memory_space<vmem>>)
          tpu.yield
        }) : () -> ()
        %dma_start3A_403 = arith.constant 0 : i32
        %dma_start3A_404 = arith.constant 0 : i32
        %dma_start3A_405 = arith.constant 0 : i32
        %dma_start3A_406 = arith.constant 0 : i32
        %dma_start3A_407 = tpu.memref_slice %arg8[%dma_start3A_404, %dma_start3A_405, %dma_start3A_406] : memref<4x200x64xf32, #tpu.memory_space<vmem>> -> memref<1x200x64xf32, #tpu.memory_space<vmem>>
        %dma_start3A_408 = tpu.memref_squeeze %dma_start3A_407 : memref<1x200x64xf32, #tpu.memory_space<vmem>> -> memref<200x64xf32, #tpu.memory_space<vmem>>
        %dma_start3A_409 = arith.constant 0 : i32
        %dma_start3A_410 = arith.constant 0 : i32
        %dma_start3A_411 = tpu.memref_slice %dma_start3A_408[%dma_start3A_409, %dma_start3A_410] : memref<200x64xf32, #tpu.memory_space<vmem>> -> memref<100x64xf32, #tpu.memory_space<vmem>>
        %dma_start3A_412 = arith.constant 0 : i32
        %dma_start3A_413 = tpu.memref_slice %arg6[%dma_start3A_403, %dma_start3A_412] : memref<8x100xi32, #tpu.memory_space<vmem>> -> memref<1x100xi32, #tpu.memory_space<vmem>>
        %dma_start3A_414 = tpu.memref_squeeze %dma_start3A_413 : memref<1x100xi32, #tpu.memory_space<vmem>> -> memref<100xi32, #tpu.memory_space<vmem>>
        %dma_start3A_415 = arith.constant 0 : i32
        %dma_start3A_416 = arith.constant 0 : i32
        %dma_start3A_417 = tpu.memref_slice %arg3[%dma_start3A_415, %dma_start3A_416] : memref<100000x64xf32, #tpu.memory_space<hbm>> -> memref<100000x64xf32, #tpu.memory_space<hbm>>
        tpu.enqueue_indirect_dma source(%dma_start3A_417 : memref<100000x64xf32, #tpu.memory_space<hbm>>) target(%dma_start3A_411 : memref<100x64xf32, #tpu.memory_space<vmem>>) offsets(%dma_start3A_414 : memref<100xi32, #tpu.memory_space<vmem>>) semaphore(%arg11 : memref<!tpu.dma_semaphore, #tpu.memory_space<semaphore_mem>>)
        %dma_start3A_418 = arith.constant 1 : i32
        %dma_start3A_419 = arith.constant 0 : i32
        %dma_start3A_420 = arith.constant 0 : i32
        %dma_start3A_421 = arith.constant 0 : i32
        %dma_start3A_422 = tpu.memref_slice %arg8[%dma_start3A_419, %dma_start3A_420, %dma_start3A_421] : memref<4x200x64xf32, #tpu.memory_space<vmem>> -> memref<1x200x64xf32, #tpu.memory_space<vmem>>
        %dma_start3A_423 = tpu.memref_squeeze %dma_start3A_422 : memref<1x200x64xf32, #tpu.memory_space<vmem>> -> memref<200x64xf32, #tpu.memory_space<vmem>>
        %dma_start3A_424 = arith.constant 100 : i32
        %dma_start3A_425 = arith.constant 0 : i32
        %dma_start3A_426 = tpu.memref_slice %dma_start3A_423[%dma_start3A_424, %dma_start3A_425] : memref<200x64xf32, #tpu.memory_space<vmem>> -> memref<100x64xf32, #tpu.memory_space<vmem>>
        %dma_start3A_427 = arith.constant 0 : i32
        %dma_start3A_428 = tpu.memref_slice %arg6[%dma_start3A_418, %dma_start3A_427] : memref<8x100xi32, #tpu.memory_space<vmem>> -> memref<1x100xi32, #tpu.memory_space<vmem>>
        %dma_start3A_429 = tpu.memref_squeeze %dma_start3A_428 : memref<1x100xi32, #tpu.memory_space<vmem>> -> memref<100xi32, #tpu.memory_space<vmem>>
        %dma_start3A_430 = arith.constant 0 : i32
        %dma_start3A_431 = arith.constant 0 : i32
        %dma_start3A_432 = tpu.memref_slice %arg3[%dma_start3A_430, %dma_start3A_431] : memref<100000x64xf32, #tpu.memory_space<hbm>> -> memref<100000x64xf32, #tpu.memory_space<hbm>>
        tpu.enqueue_indirect_dma source(%dma_start3A_432 : memref<100000x64xf32, #tpu.memory_space<hbm>>) target(%dma_start3A_426 : memref<100x64xf32, #tpu.memory_space<vmem>>) offsets(%dma_start3A_429 : memref<100xi32, #tpu.memory_space<vmem>>) semaphore(%arg11 : memref<!tpu.dma_semaphore, #tpu.memory_space<semaphore_mem>>)
        %dma_start3A_433 = arith.constant 2 : i32
        %dma_start3A_434 = arith.constant 1 : i32
        %dma_start3A_435 = arith.constant 0 : i32
        %dma_start3A_436 = arith.constant 0 : i32
        %dma_start3A_437 = tpu.memref_slice %arg8[%dma_start3A_434, %dma_start3A_435, %dma_start3A_436] : memref<4x200x64xf32, #tpu.memory_space<vmem>> -> memref<1x200x64xf32, #tpu.memory_space<vmem>>
        %dma_start3A_438 = tpu.memref_squeeze %dma_start3A_437 : memref<1x200x64xf32, #tpu.memory_space<vmem>> -> memref<200x64xf32, #tpu.memory_space<vmem>>
        %dma_start3A_439 = arith.constant 0 : i32
        %dma_start3A_440 = arith.constant 0 : i32
        %dma_start3A_441 = tpu.memref_slice %dma_start3A_438[%dma_start3A_439, %dma_start3A_440] : memref<200x64xf32, #tpu.memory_space<vmem>> -> memref<100x64xf32, #tpu.memory_space<vmem>>
        %dma_start3A_442 = arith.constant 0 : i32
        %dma_start3A_443 = tpu.memref_slice %arg6[%dma_start3A_433, %dma_start3A_442] : memref<8x100xi32, #tpu.memory_space<vmem>> -> memref<1x100xi32, #tpu.memory_space<vmem>>
        %dma_start3A_444 = tpu.memref_squeeze %dma_start3A_443 : memref<1x100xi32, #tpu.memory_space<vmem>> -> memref<100xi32, #tpu.memory_space<vmem>>
        %dma_start3A_445 = arith.constant 0 : i32
        %dma_start3A_446 = arith.constant 0 : i32
        %dma_start3A_447 = tpu.memref_slice %arg3[%dma_start3A_445, %dma_start3A_446] : memref<100000x64xf32, #tpu.memory_space<hbm>> -> memref<100000x64xf32, #tpu.memory_space<hbm>>
        tpu.enqueue_indirect_dma source(%dma_start3A_447 : memref<100000x64xf32, #tpu.memory_space<hbm>>) target(%dma_start3A_441 : memref<100x64xf32, #tpu.memory_space<vmem>>) offsets(%dma_start3A_444 : memref<100xi32, #tpu.memory_space<vmem>>) semaphore(%arg11 : memref<!tpu.dma_semaphore, #tpu.memory_space<semaphore_mem>>)
        %dma_start3A_448 = arith.constant 3 : i32
        %dma_start3A_449 = arith.constant 1 : i32
        %dma_start3A_450 = arith.constant 0 : i32
        %dma_start3A_451 = arith.constant 0 : i32
        %dma_start3A_452 = tpu.memref_slice %arg8[%dma_start3A_449, %dma_start3A_450, %dma_start3A_451] : memref<4x200x64xf32, #tpu.memory_space<vmem>> -> memref<1x200x64xf32, #tpu.memory_space<vmem>>
        %dma_start3A_453 = tpu.memref_squeeze %dma_start3A_452 : memref<1x200x64xf32, #tpu.memory_space<vmem>> -> memref<200x64xf32, #tpu.memory_space<vmem>>
        %dma_start3A_454 = arith.constant 100 : i32
        %dma_start3A_455 = arith.constant 0 : i32
        %dma_start3A_456 = tpu.memref_slice %dma_start3A_453[%dma_start3A_454, %dma_start3A_455] : memref<200x64xf32, #tpu.memory_space<vmem>> -> memref<100x64xf32, #tpu.memory_space<vmem>>
        %dma_start3A_457 = arith.constant 0 : i32
        %dma_start3A_458 = tpu.memref_slice %arg6[%dma_start3A_448, %dma_start3A_457] : memref<8x100xi32, #tpu.memory_space<vmem>> -> memref<1x100xi32, #tpu.memory_space<vmem>>
        %dma_start3A_459 = tpu.memref_squeeze %dma_start3A_458 : memref<1x100xi32, #tpu.memory_space<vmem>> -> memref<100xi32, #tpu.memory_space<vmem>>
        %dma_start3A_460 = arith.constant 0 : i32
        %dma_start3A_461 = arith.constant 0 : i32
        %dma_start3A_462 = tpu.memref_slice %arg3[%dma_start3A_460, %dma_start3A_461] : memref<100000x64xf32, #tpu.memory_space<hbm>> -> memref<100000x64xf32, #tpu.memory_space<hbm>>
        tpu.enqueue_indirect_dma source(%dma_start3A_462 : memref<100000x64xf32, #tpu.memory_space<hbm>>) target(%dma_start3A_456 : memref<100x64xf32, #tpu.memory_space<vmem>>) offsets(%dma_start3A_459 : memref<100xi32, #tpu.memory_space<vmem>>) semaphore(%arg11 : memref<!tpu.dma_semaphore, #tpu.memory_space<semaphore_mem>>)
        %dma_start3A_463 = arith.constant 4 : i32
        %dma_start3A_464 = arith.constant 2 : i32
        %dma_start3A_465 = arith.constant 0 : i32
        %dma_start3A_466 = arith.constant 0 : i32
        %dma_start3A_467 = tpu.memref_slice %arg8[%dma_start3A_464, %dma_start3A_465, %dma_start3A_466] : memref<4x200x64xf32, #tpu.memory_space<vmem>> -> memref<1x200x64xf32, #tpu.memory_space<vmem>>
        %dma_start3A_468 = tpu.memref_squeeze %dma_start3A_467 : memref<1x200x64xf32, #tpu.memory_space<vmem>> -> memref<200x64xf32, #tpu.memory_space<vmem>>
        %dma_start3A_469 = arith.constant 0 : i32
        %dma_start3A_470 = arith.constant 0 : i32
        %dma_start3A_471 = tpu.memref_slice %dma_start3A_468[%dma_start3A_469, %dma_start3A_470] : memref<200x64xf32, #tpu.memory_space<vmem>> -> memref<100x64xf32, #tpu.memory_space<vmem>>
        %dma_start3A_472 = arith.constant 0 : i32
        %dma_start3A_473 = tpu.memref_slice %arg6[%dma_start3A_463, %dma_start3A_472] : memref<8x100xi32, #tpu.memory_space<vmem>> -> memref<1x100xi32, #tpu.memory_space<vmem>>
        %dma_start3A_474 = tpu.memref_squeeze %dma_start3A_473 : memref<1x100xi32, #tpu.memory_space<vmem>> -> memref<100xi32, #tpu.memory_space<vmem>>
        %dma_start3A_475 = arith.constant 0 : i32
        %dma_start3A_476 = arith.constant 0 : i32
        %dma_start3A_477 = tpu.memref_slice %arg3[%dma_start3A_475, %dma_start3A_476] : memref<100000x64xf32, #tpu.memory_space<hbm>> -> memref<100000x64xf32, #tpu.memory_space<hbm>>
        tpu.enqueue_indirect_dma source(%dma_start3A_477 : memref<100000x64xf32, #tpu.memory_space<hbm>>) target(%dma_start3A_471 : memref<100x64xf32, #tpu.memory_space<vmem>>) offsets(%dma_start3A_474 : memref<100xi32, #tpu.memory_space<vmem>>) semaphore(%arg11 : memref<!tpu.dma_semaphore, #tpu.memory_space<semaphore_mem>>)
        %dma_start3A_478 = arith.constant 5 : i32
        %dma_start3A_479 = arith.constant 2 : i32
        %dma_start3A_480 = arith.constant 0 : i32
        %dma_start3A_481 = arith.constant 0 : i32
        %dma_start3A_482 = tpu.memref_slice %arg8[%dma_start3A_479, %dma_start3A_480, %dma_start3A_481] : memref<4x200x64xf32, #tpu.memory_space<vmem>> -> memref<1x200x64xf32, #tpu.memory_space<vmem>>
        %dma_start3A_483 = tpu.memref_squeeze %dma_start3A_482 : memref<1x200x64xf32, #tpu.memory_space<vmem>> -> memref<200x64xf32, #tpu.memory_space<vmem>>
        %dma_start3A_484 = arith.constant 100 : i32
        %dma_start3A_485 = arith.constant 0 : i32
        %dma_start3A_486 = tpu.memref_slice %dma_start3A_483[%dma_start3A_484, %dma_start3A_485] : memref<200x64xf32, #tpu.memory_space<vmem>> -> memref<100x64xf32, #tpu.memory_space<vmem>>
        %dma_start3A_487 = arith.constant 0 : i32
        %dma_start3A_488 = tpu.memref_slice %arg6[%dma_start3A_478, %dma_start3A_487] : memref<8x100xi32, #tpu.memory_space<vmem>> -> memref<1x100xi32, #tpu.memory_space<vmem>>
        %dma_start3A_489 = tpu.memref_squeeze %dma_start3A_488 : memref<1x100xi32, #tpu.memory_space<vmem>> -> memref<100xi32, #tpu.memory_space<vmem>>
        %dma_start3A_490 = arith.constant 0 : i32
        %dma_start3A_491 = arith.constant 0 : i32
        %dma_start3A_492 = tpu.memref_slice %arg3[%dma_start3A_490, %dma_start3A_491] : memref<100000x64xf32, #tpu.memory_space<hbm>> -> memref<100000x64xf32, #tpu.memory_space<hbm>>
        tpu.enqueue_indirect_dma source(%dma_start3A_492 : memref<100000x64xf32, #tpu.memory_space<hbm>>) target(%dma_start3A_486 : memref<100x64xf32, #tpu.memory_space<vmem>>) offsets(%dma_start3A_489 : memref<100xi32, #tpu.memory_space<vmem>>) semaphore(%arg11 : memref<!tpu.dma_semaphore, #tpu.memory_space<semaphore_mem>>)
        %dma_start3A_493 = arith.constant 6 : i32
        %dma_start3A_494 = arith.constant 3 : i32
        %dma_start3A_495 = arith.constant 0 : i32
        %dma_start3A_496 = arith.constant 0 : i32
        %dma_start3A_497 = tpu.memref_slice %arg8[%dma_start3A_494, %dma_start3A_495, %dma_start3A_496] : memref<4x200x64xf32, #tpu.memory_space<vmem>> -> memref<1x200x64xf32, #tpu.memory_space<vmem>>
        %dma_start3A_498 = tpu.memref_squeeze %dma_start3A_497 : memref<1x200x64xf32, #tpu.memory_space<vmem>> -> memref<200x64xf32, #tpu.memory_space<vmem>>
        %dma_start3A_499 = arith.constant 0 : i32
        %dma_start3A_500 = arith.constant 0 : i32
        %dma_start3A_501 = tpu.memref_slice %dma_start3A_498[%dma_start3A_499, %dma_start3A_500] : memref<200x64xf32, #tpu.memory_space<vmem>> -> memref<100x64xf32, #tpu.memory_space<vmem>>
        %dma_start3A_502 = arith.constant 0 : i32
        %dma_start3A_503 = tpu.memref_slice %arg6[%dma_start3A_493, %dma_start3A_502] : memref<8x100xi32, #tpu.memory_space<vmem>> -> memref<1x100xi32, #tpu.memory_space<vmem>>
        %dma_start3A_504 = tpu.memref_squeeze %dma_start3A_503 : memref<1x100xi32, #tpu.memory_space<vmem>> -> memref<100xi32, #tpu.memory_space<vmem>>
        %dma_start3A_505 = arith.constant 0 : i32
        %dma_start3A_506 = arith.constant 0 : i32
        %dma_start3A_507 = tpu.memref_slice %arg3[%dma_start3A_505, %dma_start3A_506] : memref<100000x64xf32, #tpu.memory_space<hbm>> -> memref<100000x64xf32, #tpu.memory_space<hbm>>
        tpu.enqueue_indirect_dma source(%dma_start3A_507 : memref<100000x64xf32, #tpu.memory_space<hbm>>) target(%dma_start3A_501 : memref<100x64xf32, #tpu.memory_space<vmem>>) offsets(%dma_start3A_504 : memref<100xi32, #tpu.memory_space<vmem>>) semaphore(%arg11 : memref<!tpu.dma_semaphore, #tpu.memory_space<semaphore_mem>>)
        %dma_start3A_508 = arith.constant 7 : i32
        %dma_start3A_509 = arith.constant 3 : i32
        %dma_start3A_510 = arith.constant 0 : i32
        %dma_start3A_511 = arith.constant 0 : i32
        %dma_start3A_512 = tpu.memref_slice %arg8[%dma_start3A_509, %dma_start3A_510, %dma_start3A_511] : memref<4x200x64xf32, #tpu.memory_space<vmem>> -> memref<1x200x64xf32, #tpu.memory_space<vmem>>
        %dma_start3A_513 = tpu.memref_squeeze %dma_start3A_512 : memref<1x200x64xf32, #tpu.memory_space<vmem>> -> memref<200x64xf32, #tpu.memory_space<vmem>>
        %dma_start3A_514 = arith.constant 100 : i32
        %dma_start3A_515 = arith.constant 0 : i32
        %dma_start3A_516 = tpu.memref_slice %dma_start3A_513[%dma_start3A_514, %dma_start3A_515] : memref<200x64xf32, #tpu.memory_space<vmem>> -> memref<100x64xf32, #tpu.memory_space<vmem>>
        %dma_start3A_517 = arith.constant 0 : i32
        %dma_start3A_518 = tpu.memref_slice %arg6[%dma_start3A_508, %dma_start3A_517] : memref<8x100xi32, #tpu.memory_space<vmem>> -> memref<1x100xi32, #tpu.memory_space<vmem>>
        %dma_start3A_519 = tpu.memref_squeeze %dma_start3A_518 : memref<1x100xi32, #tpu.memory_space<vmem>> -> memref<100xi32, #tpu.memory_space<vmem>>
        %dma_start3A_520 = arith.constant 0 : i32
        %dma_start3A_521 = arith.constant 0 : i32
        %dma_start3A_522 = tpu.memref_slice %arg3[%dma_start3A_520, %dma_start3A_521] : memref<100000x64xf32, #tpu.memory_space<hbm>> -> memref<100000x64xf32, #tpu.memory_space<hbm>>
        tpu.enqueue_indirect_dma source(%dma_start3A_522 : memref<100000x64xf32, #tpu.memory_space<hbm>>) target(%dma_start3A_516 : memref<100x64xf32, #tpu.memory_space<vmem>>) offsets(%dma_start3A_519 : memref<100xi32, #tpu.memory_space<vmem>>) semaphore(%arg11 : memref<!tpu.dma_semaphore, #tpu.memory_space<semaphore_mem>>)
      } else {
      }
      %dma_wait3A_348 = arith.constant 0 : i32
      %dma_wait3A_349 = arith.constant 0 : i32
      %dma_wait3A_350 = arith.constant 0 : i32
      %dma_wait3A_351 = tpu.memref_slice %arg5[%dma_wait3A_348, %dma_wait3A_349, %dma_wait3A_350] : memref<4096x200x64xf32, #tpu.memory_space<hbm>> -> memref<4x200x64xf32, #tpu.memory_space<hbm>>
      %dma_wait3A_352 = arith.constant 0 : i32
      %dma_wait3A_353 = arith.constant 0 : i32
      %dma_wait3A_354 = arith.constant 0 : i32
      %dma_wait3A_355 = tpu.memref_slice %arg5[%dma_wait3A_352, %dma_wait3A_353, %dma_wait3A_354] : memref<4096x200x64xf32, #tpu.memory_space<hbm>> -> memref<4x200x64xf32, #tpu.memory_space<hbm>>
      tpu.wait_dma2 semaphore(%arg12 : memref<!tpu.dma_semaphore, #tpu.memory_space<semaphore_mem>>) src(%dma_wait3A_355 : memref<4x200x64xf32, #tpu.memory_space<hbm>>) dst(%arg9 : memref<4x200x64xf32, #tpu.memory_space<vmem>>)
      %scan3A_356 = arith.constant 0 : i32
      %scan3A_357 = arith.constant 0 : i32
      %scan3A_358 = arith.constant 200 : i32
      %scan3A_359 = arith.addi %scan3A_357, %scan3A_358 : i32
      %scan3A_360 = arith.constant 1 : i32
      scf.for %scan3A_371 = %scan3A_357 to %scan3A_359 step %scan3A_360  : i32 {
        %get3A = arith.index_cast %scan3A_371 : i32 to index
        %get3A_372 = arith.constant 0 : index
        %get3A_373 = tpu.vector_load %arg10[%get3A, %get3A_372] {strides = array<i32>} : memref<200x64xf32, #tpu.memory_space<vmem>>, vector<1x16xf32>,
        %get3A_374 = vector.shape_cast %get3A_373 : vector<1x16xf32> to vector<16xf32>
        %get3A_375 = arith.constant 0 : i32
        %get3A_376 = arith.index_cast %get3A_375 : i32 to index
        %get3A_377 = arith.index_cast %scan3A_371 : i32 to index
        %get3A_378 = arith.constant 0 : index
        %get3A_379 = tpu.vector_load %arg9[%get3A_376, %get3A_377, %get3A_378] {strides = array<i32>} : memref<4x200x64xf32, #tpu.memory_space<vmem>>, vector<1x1x16xf32>,
        %get3A_380 = vector.shape_cast %get3A_379 : vector<1x1x16xf32> to vector<16xf32>
        %add3A_381 = arith.addf %get3A_380, %get3A_374 : vector<16xf32>
        %swap3A = arith.constant 0 : i32
        %swap3A_382 = arith.index_cast %swap3A : i32 to index
        %swap3A_383 = arith.index_cast %scan3A_371 : i32 to index
        %swap3A_384 = arith.constant 0 : index
        %swap3A_385 = tpu.vector_load %arg9[%swap3A_382, %swap3A_383, %swap3A_384] {strides = array<i32>} : memref<4x200x64xf32, #tpu.memory_space<vmem>>, vector<1x1x16xf32>,
        %swap3A_386 = vector.shape_cast %swap3A_385 : vector<1x1x16xf32> to vector<16xf32>
        %swap3A_387 = vector.shape_cast %add3A_381 : vector<16xf32> to vector<1x1x16xf32>
        tpu.vector_store %arg9[%swap3A_382, %swap3A_383, %swap3A_384], %swap3A_387 {strides = array<i32>} : memref<4x200x64xf32, #tpu.memory_space<vmem>>, vector<1x1x16xf32>,
        %get3A_388 = arith.constant 1 : i32
        %get3A_389 = arith.index_cast %get3A_388 : i32 to index
        %get3A_390 = arith.index_cast %scan3A_371 : i32 to index
        %get3A_391 = arith.constant 0 : index
        %get3A_392 = tpu.vector_load %arg9[%get3A_389, %get3A_390, %get3A_391] {strides = array<i32>} : memref<4x200x64xf32, #tpu.memory_space<vmem>>, vector<1x1x16xf32>,
        %get3A_393 = vector.shape_cast %get3A_392 : vector<1x1x16xf32> to vector<16xf32>
        %add3A_394 = arith.addf %get3A_393, %get3A_374 : vector<16xf32>
        %swap3A_395 = arith.constant 1 : i32
        %swap3A_396 = arith.index_cast %swap3A_395 : i32 to index
        %swap3A_397 = arith.index_cast %scan3A_371 : i32 to index
        %swap3A_398 = arith.constant 0 : index
        %swap3A_399 = tpu.vector_load %arg9[%swap3A_396, %swap3A_397, %swap3A_398] {strides = array<i32>} : memref<4x200x64xf32, #tpu.memory_space<vmem>>, vector<1x1x16xf32>,
        %swap3A_400 = vector.shape_cast %swap3A_399 : vector<1x1x16xf32> to vector<16xf32>
        %swap3A_401 = vector.shape_cast %add3A_394 : vector<16xf32> to vector<1x1x16xf32>
        tpu.vector_store %arg9[%swap3A_396, %swap3A_397, %swap3A_398], %swap3A_401 {strides = array<i32>} : memref<4x200x64xf32, #tpu.memory_space<vmem>>, vector<1x1x16xf32>,
        %get3A_402 = arith.constant 2 : i32
        %get3A_403 = arith.index_cast %get3A_402 : i32 to index
        %get3A_404 = arith.index_cast %scan3A_371 : i32 to index
        %get3A_405 = arith.constant 0 : index
        %get3A_406 = tpu.vector_load %arg9[%get3A_403, %get3A_404, %get3A_405] {strides = array<i32>} : memref<4x200x64xf32, #tpu.memory_space<vmem>>, vector<1x1x16xf32>,
        %get3A_407 = vector.shape_cast %get3A_406 : vector<1x1x16xf32> to vector<16xf32>
        %add3A_408 = arith.addf %get3A_407, %get3A_374 : vector<16xf32>
        %swap3A_409 = arith.constant 2 : i32
        %swap3A_410 = arith.index_cast %swap3A_409 : i32 to index
        %swap3A_411 = arith.index_cast %scan3A_371 : i32 to index
        %swap3A_412 = arith.constant 0 : index
        %swap3A_413 = tpu.vector_load %arg9[%swap3A_410, %swap3A_411, %swap3A_412] {strides = array<i32>} : memref<4x200x64xf32, #tpu.memory_space<vmem>>, vector<1x1x16xf32>,
        %swap3A_414 = vector.shape_cast %swap3A_413 : vector<1x1x16xf32> to vector<16xf32>
        %swap3A_415 = vector.shape_cast %add3A_408 : vector<16xf32> to vector<1x1x16xf32>
        tpu.vector_store %arg9[%swap3A_410, %swap3A_411, %swap3A_412], %swap3A_415 {strides = array<i32>} : memref<4x200x64xf32, #tpu.memory_space<vmem>>, vector<1x1x16xf32>,
        %get3A_416 = arith.constant 3 : i32
        %get3A_417 = arith.index_cast %get3A_416 : i32 to index
        %get3A_418 = arith.index_cast %scan3A_371 : i32 to index
        %get3A_419 = arith.constant 0 : index
        %get3A_420 = tpu.vector_load %arg9[%get3A_417, %get3A_418, %get3A_419] {strides = array<i32>} : memref<4x200x64xf32, #tpu.memory_space<vmem>>, vector<1x1x16xf32>,
        %get3A_421 = vector.shape_cast %get3A_420 : vector<1x1x16xf32> to vector<16xf32>
        %add3A_422 = arith.addf %get3A_421, %get3A_374 : vector<16xf32>
        %swap3A_423 = arith.constant 3 : i32
        %swap3A_424 = arith.index_cast %swap3A_423 : i32 to index
        %swap3A_425 = arith.index_cast %scan3A_371 : i32 to index
        %swap3A_426 = arith.constant 0 : index
        %swap3A_427 = tpu.vector_load %arg9[%swap3A_424, %swap3A_425, %swap3A_426] {strides = array<i32>} : memref<4x200x64xf32, #tpu.memory_space<vmem>>, vector<1x1x16xf32>,
        %swap3A_428 = vector.shape_cast %swap3A_427 : vector<1x1x16xf32> to vector<16xf32>
        %swap3A_429 = vector.shape_cast %add3A_422 : vector<16xf32> to vector<1x1x16xf32>
        tpu.vector_store %arg9[%swap3A_424, %swap3A_425, %swap3A_426], %swap3A_429 {strides = array<i32>} : memref<4x200x64xf32, #tpu.memory_space<vmem>>, vector<1x1x16xf32>,
        %get3A_430 = arith.index_cast %scan3A_371 : i32 to index
        %get3A_431 = arith.constant 16 : index
        %get3A_432 = tpu.vector_load %arg10[%get3A_430, %get3A_431] {strides = array<i32>} : memref<200x64xf32, #tpu.memory_space<vmem>>, vector<1x16xf32>,
        %get3A_433 = vector.shape_cast %get3A_432 : vector<1x16xf32> to vector<16xf32>
        %get3A_434 = arith.constant 0 : i32
        %get3A_435 = arith.index_cast %get3A_434 : i32 to index
        %get3A_436 = arith.index_cast %scan3A_371 : i32 to index
        %get3A_437 = arith.constant 16 : index
        %get3A_438 = tpu.vector_load %arg9[%get3A_435, %get3A_436, %get3A_437] {strides = array<i32>} : memref<4x200x64xf32, #tpu.memory_space<vmem>>, vector<1x1x16xf32>,
        %get3A_439 = vector.shape_cast %get3A_438 : vector<1x1x16xf32> to vector<16xf32>
        %add3A_440 = arith.addf %get3A_439, %get3A_433 : vector<16xf32>
        %swap3A_441 = arith.constant 0 : i32
        %swap3A_442 = arith.index_cast %swap3A_441 : i32 to index
        %swap3A_443 = arith.index_cast %scan3A_371 : i32 to index
        %swap3A_444 = arith.constant 16 : index
        %swap3A_445 = tpu.vector_load %arg9[%swap3A_442, %swap3A_443, %swap3A_444] {strides = array<i32>} : memref<4x200x64xf32, #tpu.memory_space<vmem>>, vector<1x1x16xf32>,
        %swap3A_446 = vector.shape_cast %swap3A_445 : vector<1x1x16xf32> to vector<16xf32>
        %swap3A_447 = vector.shape_cast %add3A_440 : vector<16xf32> to vector<1x1x16xf32>
        tpu.vector_store %arg9[%swap3A_442, %swap3A_443, %swap3A_444], %swap3A_447 {strides = array<i32>} : memref<4x200x64xf32, #tpu.memory_space<vmem>>, vector<1x1x16xf32>,
        %get3A_448 = arith.constant 1 : i32
        %get3A_449 = arith.index_cast %get3A_448 : i32 to index
        %get3A_450 = arith.index_cast %scan3A_371 : i32 to index
        %get3A_451 = arith.constant 16 : index
        %get3A_452 = tpu.vector_load %arg9[%get3A_449, %get3A_450, %get3A_451] {strides = array<i32>} : memref<4x200x64xf32, #tpu.memory_space<vmem>>, vector<1x1x16xf32>,
        %get3A_453 = vector.shape_cast %get3A_452 : vector<1x1x16xf32> to vector<16xf32>
        %add3A_454 = arith.addf %get3A_453, %get3A_433 : vector<16xf32>
        %swap3A_455 = arith.constant 1 : i32
        %swap3A_456 = arith.index_cast %swap3A_455 : i32 to index
        %swap3A_457 = arith.index_cast %scan3A_371 : i32 to index
        %swap3A_458 = arith.constant 16 : index
        %swap3A_459 = tpu.vector_load %arg9[%swap3A_456, %swap3A_457, %swap3A_458] {strides = array<i32>} : memref<4x200x64xf32, #tpu.memory_space<vmem>>, vector<1x1x16xf32>,
        %swap3A_460 = vector.shape_cast %swap3A_459 : vector<1x1x16xf32> to vector<16xf32>
        %swap3A_461 = vector.shape_cast %add3A_454 : vector<16xf32> to vector<1x1x16xf32>
        tpu.vector_store %arg9[%swap3A_456, %swap3A_457, %swap3A_458], %swap3A_461 {strides = array<i32>} : memref<4x200x64xf32, #tpu.memory_space<vmem>>, vector<1x1x16xf32>,
        %get3A_462 = arith.constant 2 : i32
        %get3A_463 = arith.index_cast %get3A_462 : i32 to index
        %get3A_464 = arith.index_cast %scan3A_371 : i32 to index
        %get3A_465 = arith.constant 16 : index
        %get3A_466 = tpu.vector_load %arg9[%get3A_463, %get3A_464, %get3A_465] {strides = array<i32>} : memref<4x200x64xf32, #tpu.memory_space<vmem>>, vector<1x1x16xf32>,
        %get3A_467 = vector.shape_cast %get3A_466 : vector<1x1x16xf32> to vector<16xf32>
        %add3A_468 = arith.addf %get3A_467, %get3A_433 : vector<16xf32>
        %swap3A_469 = arith.constant 2 : i32
        %swap3A_470 = arith.index_cast %swap3A_469 : i32 to index
        %swap3A_471 = arith.index_cast %scan3A_371 : i32 to index
        %swap3A_472 = arith.constant 16 : index
        %swap3A_473 = tpu.vector_load %arg9[%swap3A_470, %swap3A_471, %swap3A_472] {strides = array<i32>} : memref<4x200x64xf32, #tpu.memory_space<vmem>>, vector<1x1x16xf32>,
        %swap3A_474 = vector.shape_cast %swap3A_473 : vector<1x1x16xf32> to vector<16xf32>
        %swap3A_475 = vector.shape_cast %add3A_468 : vector<16xf32> to vector<1x1x16xf32>
        tpu.vector_store %arg9[%swap3A_470, %swap3A_471, %swap3A_472], %swap3A_475 {strides = array<i32>} : memref<4x200x64xf32, #tpu.memory_space<vmem>>, vector<1x1x16xf32>,
        %get3A_476 = arith.constant 3 : i32
        %get3A_477 = arith.index_cast %get3A_476 : i32 to index
        %get3A_478 = arith.index_cast %scan3A_371 : i32 to index
        %get3A_479 = arith.constant 16 : index
        %get3A_480 = tpu.vector_load %arg9[%get3A_477, %get3A_478, %get3A_479] {strides = array<i32>} : memref<4x200x64xf32, #tpu.memory_space<vmem>>, vector<1x1x16xf32>,
        %get3A_481 = vector.shape_cast %get3A_480 : vector<1x1x16xf32> to vector<16xf32>
        %add3A_482 = arith.addf %get3A_481, %get3A_433 : vector<16xf32>
        %swap3A_483 = arith.constant 3 : i32
        %swap3A_484 = arith.index_cast %swap3A_483 : i32 to index
        %swap3A_485 = arith.index_cast %scan3A_371 : i32 to index
        %swap3A_486 = arith.constant 16 : index
        %swap3A_487 = tpu.vector_load %arg9[%swap3A_484, %swap3A_485, %swap3A_486] {strides = array<i32>} : memref<4x200x64xf32, #tpu.memory_space<vmem>>, vector<1x1x16xf32>,
        %swap3A_488 = vector.shape_cast %swap3A_487 : vector<1x1x16xf32> to vector<16xf32>
        %swap3A_489 = vector.shape_cast %add3A_482 : vector<16xf32> to vector<1x1x16xf32>
        tpu.vector_store %arg9[%swap3A_484, %swap3A_485, %swap3A_486], %swap3A_489 {strides = array<i32>} : memref<4x200x64xf32, #tpu.memory_space<vmem>>, vector<1x1x16xf32>,
        %get3A_490 = arith.index_cast %scan3A_371 : i32 to index
        %get3A_491 = arith.constant 32 : index
        %get3A_492 = tpu.vector_load %arg10[%get3A_490, %get3A_491] {strides = array<i32>} : memref<200x64xf32, #tpu.memory_space<vmem>>, vector<1x16xf32>,
        %get3A_493 = vector.shape_cast %get3A_492 : vector<1x16xf32> to vector<16xf32>
        %get3A_494 = arith.constant 0 : i32
        %get3A_495 = arith.index_cast %get3A_494 : i32 to index
        %get3A_496 = arith.index_cast %scan3A_371 : i32 to index
        %get3A_497 = arith.constant 32 : index
        %get3A_498 = tpu.vector_load %arg9[%get3A_495, %get3A_496, %get3A_497] {strides = array<i32>} : memref<4x200x64xf32, #tpu.memory_space<vmem>>, vector<1x1x16xf32>,
        %get3A_499 = vector.shape_cast %get3A_498 : vector<1x1x16xf32> to vector<16xf32>
        %add3A_500 = arith.addf %get3A_499, %get3A_493 : vector<16xf32>
        %swap3A_501 = arith.constant 0 : i32
        %swap3A_502 = arith.index_cast %swap3A_501 : i32 to index
        %swap3A_503 = arith.index_cast %scan3A_371 : i32 to index
        %swap3A_504 = arith.constant 32 : index
        %swap3A_505 = tpu.vector_load %arg9[%swap3A_502, %swap3A_503, %swap3A_504] {strides = array<i32>} : memref<4x200x64xf32, #tpu.memory_space<vmem>>, vector<1x1x16xf32>,
        %swap3A_506 = vector.shape_cast %swap3A_505 : vector<1x1x16xf32> to vector<16xf32>
        %swap3A_507 = vector.shape_cast %add3A_500 : vector<16xf32> to vector<1x1x16xf32>
        tpu.vector_store %arg9[%swap3A_502, %swap3A_503, %swap3A_504], %swap3A_507 {strides = array<i32>} : memref<4x200x64xf32, #tpu.memory_space<vmem>>, vector<1x1x16xf32>,
        %get3A_508 = arith.constant 1 : i32
        %get3A_509 = arith.index_cast %get3A_508 : i32 to index
        %get3A_510 = arith.index_cast %scan3A_371 : i32 to index
        %get3A_511 = arith.constant 32 : index
        %get3A_512 = tpu.vector_load %arg9[%get3A_509, %get3A_510, %get3A_511] {strides = array<i32>} : memref<4x200x64xf32, #tpu.memory_space<vmem>>, vector<1x1x16xf32>,
        %get3A_513 = vector.shape_cast %get3A_512 : vector<1x1x16xf32> to vector<16xf32>
        %add3A_514 = arith.addf %get3A_513, %get3A_493 : vector<16xf32>
        %swap3A_515 = arith.constant 1 : i32
        %swap3A_516 = arith.index_cast %swap3A_515 : i32 to index
        %swap3A_517 = arith.index_cast %scan3A_371 : i32 to index
        %swap3A_518 = arith.constant 32 : index
        %swap3A_519 = tpu.vector_load %arg9[%swap3A_516, %swap3A_517, %swap3A_518] {strides = array<i32>} : memref<4x200x64xf32, #tpu.memory_space<vmem>>, vector<1x1x16xf32>,
        %swap3A_520 = vector.shape_cast %swap3A_519 : vector<1x1x16xf32> to vector<16xf32>
        %swap3A_521 = vector.shape_cast %add3A_514 : vector<16xf32> to vector<1x1x16xf32>
        tpu.vector_store %arg9[%swap3A_516, %swap3A_517, %swap3A_518], %swap3A_521 {strides = array<i32>} : memref<4x200x64xf32, #tpu.memory_space<vmem>>, vector<1x1x16xf32>,
        %get3A_522 = arith.constant 2 : i32
        %get3A_523 = arith.index_cast %get3A_522 : i32 to index
        %get3A_524 = arith.index_cast %scan3A_371 : i32 to index
        %get3A_525 = arith.constant 32 : index
        %get3A_526 = tpu.vector_load %arg9[%get3A_523, %get3A_524, %get3A_525] {strides = array<i32>} : memref<4x200x64xf32, #tpu.memory_space<vmem>>, vector<1x1x16xf32>,
        %get3A_527 = vector.shape_cast %get3A_526 : vector<1x1x16xf32> to vector<16xf32>
        %add3A_528 = arith.addf %get3A_527, %get3A_493 : vector<16xf32>
        %swap3A_529 = arith.constant 2 : i32
        %swap3A_530 = arith.index_cast %swap3A_529 : i32 to index
        %swap3A_531 = arith.index_cast %scan3A_371 : i32 to index
        %swap3A_532 = arith.constant 32 : index
        %swap3A_533 = tpu.vector_load %arg9[%swap3A_530, %swap3A_531, %swap3A_532] {strides = array<i32>} : memref<4x200x64xf32, #tpu.memory_space<vmem>>, vector<1x1x16xf32>,
        %swap3A_534 = vector.shape_cast %swap3A_533 : vector<1x1x16xf32> to vector<16xf32>
        %swap3A_535 = vector.shape_cast %add3A_528 : vector<16xf32> to vector<1x1x16xf32>
        tpu.vector_store %arg9[%swap3A_530, %swap3A_531, %swap3A_532], %swap3A_535 {strides = array<i32>} : memref<4x200x64xf32, #tpu.memory_space<vmem>>, vector<1x1x16xf32>,
        %get3A_536 = arith.constant 3 : i32
        %get3A_537 = arith.index_cast %get3A_536 : i32 to index
        %get3A_538 = arith.index_cast %scan3A_371 : i32 to index
        %get3A_539 = arith.constant 32 : index
        %get3A_540 = tpu.vector_load %arg9[%get3A_537, %get3A_538, %get3A_539] {strides = array<i32>} : memref<4x200x64xf32, #tpu.memory_space<vmem>>, vector<1x1x16xf32>,
        %get3A_541 = vector.shape_cast %get3A_540 : vector<1x1x16xf32> to vector<16xf32>
        %add3A_542 = arith.addf %get3A_541, %get3A_493 : vector<16xf32>
        %swap3A_543 = arith.constant 3 : i32
        %swap3A_544 = arith.index_cast %swap3A_543 : i32 to index
        %swap3A_545 = arith.index_cast %scan3A_371 : i32 to index
        %swap3A_546 = arith.constant 32 : index
        %swap3A_547 = tpu.vector_load %arg9[%swap3A_544, %swap3A_545, %swap3A_546] {strides = array<i32>} : memref<4x200x64xf32, #tpu.memory_space<vmem>>, vector<1x1x16xf32>,
        %swap3A_548 = vector.shape_cast %swap3A_547 : vector<1x1x16xf32> to vector<16xf32>
        %swap3A_549 = vector.shape_cast %add3A_542 : vector<16xf32> to vector<1x1x16xf32>
        tpu.vector_store %arg9[%swap3A_544, %swap3A_545, %swap3A_546], %swap3A_549 {strides = array<i32>} : memref<4x200x64xf32, #tpu.memory_space<vmem>>, vector<1x1x16xf32>,
        %get3A_550 = arith.index_cast %scan3A_371 : i32 to index
        %get3A_551 = arith.constant 48 : index
        %get3A_552 = tpu.vector_load %arg10[%get3A_550, %get3A_551] {strides = array<i32>} : memref<200x64xf32, #tpu.memory_space<vmem>>, vector<1x16xf32>,
        %get3A_553 = vector.shape_cast %get3A_552 : vector<1x16xf32> to vector<16xf32>
        %get3A_554 = arith.constant 0 : i32
        %get3A_555 = arith.index_cast %get3A_554 : i32 to index
        %get3A_556 = arith.index_cast %scan3A_371 : i32 to index
        %get3A_557 = arith.constant 48 : index
        %get3A_558 = tpu.vector_load %arg9[%get3A_555, %get3A_556, %get3A_557] {strides = array<i32>} : memref<4x200x64xf32, #tpu.memory_space<vmem>>, vector<1x1x16xf32>,
        %get3A_559 = vector.shape_cast %get3A_558 : vector<1x1x16xf32> to vector<16xf32>
        %add3A_560 = arith.addf %get3A_559, %get3A_553 : vector<16xf32>
        %swap3A_561 = arith.constant 0 : i32
        %swap3A_562 = arith.index_cast %swap3A_561 : i32 to index
        %swap3A_563 = arith.index_cast %scan3A_371 : i32 to index
        %swap3A_564 = arith.constant 48 : index
        %swap3A_565 = tpu.vector_load %arg9[%swap3A_562, %swap3A_563, %swap3A_564] {strides = array<i32>} : memref<4x200x64xf32, #tpu.memory_space<vmem>>, vector<1x1x16xf32>,
        %swap3A_566 = vector.shape_cast %swap3A_565 : vector<1x1x16xf32> to vector<16xf32>
        %swap3A_567 = vector.shape_cast %add3A_560 : vector<16xf32> to vector<1x1x16xf32>
        tpu.vector_store %arg9[%swap3A_562, %swap3A_563, %swap3A_564], %swap3A_567 {strides = array<i32>} : memref<4x200x64xf32, #tpu.memory_space<vmem>>, vector<1x1x16xf32>,
        %get3A_568 = arith.constant 1 : i32
        %get3A_569 = arith.index_cast %get3A_568 : i32 to index
        %get3A_570 = arith.index_cast %scan3A_371 : i32 to index
        %get3A_571 = arith.constant 48 : index
        %get3A_572 = tpu.vector_load %arg9[%get3A_569, %get3A_570, %get3A_571] {strides = array<i32>} : memref<4x200x64xf32, #tpu.memory_space<vmem>>, vector<1x1x16xf32>,
        %get3A_573 = vector.shape_cast %get3A_572 : vector<1x1x16xf32> to vector<16xf32>
        %add3A_574 = arith.addf %get3A_573, %get3A_553 : vector<16xf32>
        %swap3A_575 = arith.constant 1 : i32
        %swap3A_576 = arith.index_cast %swap3A_575 : i32 to index
        %swap3A_577 = arith.index_cast %scan3A_371 : i32 to index
        %swap3A_578 = arith.constant 48 : index
        %swap3A_579 = tpu.vector_load %arg9[%swap3A_576, %swap3A_577, %swap3A_578] {strides = array<i32>} : memref<4x200x64xf32, #tpu.memory_space<vmem>>, vector<1x1x16xf32>,
        %swap3A_580 = vector.shape_cast %swap3A_579 : vector<1x1x16xf32> to vector<16xf32>
        %swap3A_581 = vector.shape_cast %add3A_574 : vector<16xf32> to vector<1x1x16xf32>
        tpu.vector_store %arg9[%swap3A_576, %swap3A_577, %swap3A_578], %swap3A_581 {strides = array<i32>} : memref<4x200x64xf32, #tpu.memory_space<vmem>>, vector<1x1x16xf32>,
        %get3A_582 = arith.constant 2 : i32
        %get3A_583 = arith.index_cast %get3A_582 : i32 to index
        %get3A_584 = arith.index_cast %scan3A_371 : i32 to index
        %get3A_585 = arith.constant 48 : index
        %get3A_586 = tpu.vector_load %arg9[%get3A_583, %get3A_584, %get3A_585] {strides = array<i32>} : memref<4x200x64xf32, #tpu.memory_space<vmem>>, vector<1x1x16xf32>,
        %get3A_587 = vector.shape_cast %get3A_586 : vector<1x1x16xf32> to vector<16xf32>
        %add3A_588 = arith.addf %get3A_587, %get3A_553 : vector<16xf32>
        %swap3A_589 = arith.constant 2 : i32
        %swap3A_590 = arith.index_cast %swap3A_589 : i32 to index
        %swap3A_591 = arith.index_cast %scan3A_371 : i32 to index
        %swap3A_592 = arith.constant 48 : index
        %swap3A_593 = tpu.vector_load %arg9[%swap3A_590, %swap3A_591, %swap3A_592] {strides = array<i32>} : memref<4x200x64xf32, #tpu.memory_space<vmem>>, vector<1x1x16xf32>,
        %swap3A_594 = vector.shape_cast %swap3A_593 : vector<1x1x16xf32> to vector<16xf32>
        %swap3A_595 = vector.shape_cast %add3A_588 : vector<16xf32> to vector<1x1x16xf32>
        tpu.vector_store %arg9[%swap3A_590, %swap3A_591, %swap3A_592], %swap3A_595 {strides = array<i32>} : memref<4x200x64xf32, #tpu.memory_space<vmem>>, vector<1x1x16xf32>,
        %get3A_596 = arith.constant 3 : i32
        %get3A_597 = arith.index_cast %get3A_596 : i32 to index
        %get3A_598 = arith.index_cast %scan3A_371 : i32 to index
        %get3A_599 = arith.constant 48 : index
        %get3A_600 = tpu.vector_load %arg9[%get3A_597, %get3A_598, %get3A_599] {strides = array<i32>} : memref<4x200x64xf32, #tpu.memory_space<vmem>>, vector<1x1x16xf32>,
        %get3A_601 = vector.shape_cast %get3A_600 : vector<1x1x16xf32> to vector<16xf32>
        %add3A_602 = arith.addf %get3A_601, %get3A_553 : vector<16xf32>
        %swap3A_603 = arith.constant 3 : i32
        %swap3A_604 = arith.index_cast %swap3A_603 : i32 to index
        %swap3A_605 = arith.index_cast %scan3A_371 : i32 to index
        %swap3A_606 = arith.constant 48 : index
        %swap3A_607 = tpu.vector_load %arg9[%swap3A_604, %swap3A_605, %swap3A_606] {strides = array<i32>} : memref<4x200x64xf32, #tpu.memory_space<vmem>>, vector<1x1x16xf32>,
        %swap3A_608 = vector.shape_cast %swap3A_607 : vector<1x1x16xf32> to vector<16xf32>
        %swap3A_609 = vector.shape_cast %add3A_602 : vector<16xf32> to vector<1x1x16xf32>
        tpu.vector_store %arg9[%swap3A_604, %swap3A_605, %swap3A_606], %swap3A_609 {strides = array<i32>} : memref<4x200x64xf32, #tpu.memory_space<vmem>>, vector<1x1x16xf32>,
      }
      %scan3A_361 = arith.constant 200 : i32
      %mul3A_362 = arith.constant 4 : i32
      %mul3A_363 = arith.muli %add3A_160, %mul3A_362 : i32
      %add3A_364 = arith.addi %mul3A_2, %mul3A_363 : i32
      %dma_start3A_365 = arith.constant 0 : i32
      %dma_start3A_366 = arith.constant 0 : i32
      %dma_start3A_367 = tpu.memref_slice %arg5[%add3A_364, %dma_start3A_365, %dma_start3A_366] : memref<4096x200x64xf32, #tpu.memory_space<hbm>> -> memref<4x200x64xf32, #tpu.memory_space<hbm>>
      %dma_start3A_368 = arith.constant 0 : i32
      %dma_start3A_369 = arith.constant 0 : i32
      %dma_start3A_370 = tpu.memref_slice %arg5[%add3A_364, %dma_start3A_368, %dma_start3A_369] : memref<4096x200x64xf32, #tpu.memory_space<hbm>> -> memref<4x200x64xf32, #tpu.memory_space<hbm>>
      tpu.enqueue_dma source(%arg9 : memref<4x200x64xf32, #tpu.memory_space<vmem>>) target(%dma_start3A_370 : memref<4x200x64xf32, #tpu.memory_space<hbm>>) target_semaphore(%arg14 : memref<!tpu.dma_semaphore, #tpu.memory_space<semaphore_mem>>)
    }
    %scan3A_146 = arith.constant 16 : i32
    %dma_wait3A = arith.constant 0 : i32
    %dma_wait3A_147 = arith.constant 0 : i32
    %dma_wait3A_148 = arith.constant 0 : i32
    %dma_wait3A_149 = tpu.memref_slice %arg5[%dma_wait3A, %dma_wait3A_147, %dma_wait3A_148] : memref<4096x200x64xf32, #tpu.memory_space<hbm>> -> memref<4x200x64xf32, #tpu.memory_space<hbm>>
    %dma_wait3A_150 = arith.constant 0 : i32
    %dma_wait3A_151 = arith.constant 0 : i32
    %dma_wait3A_152 = arith.constant 0 : i32
    %dma_wait3A_153 = tpu.memref_slice %arg5[%dma_wait3A_150, %dma_wait3A_151, %dma_wait3A_152] : memref<4096x200x64xf32, #tpu.memory_space<hbm>> -> memref<4x200x64xf32, #tpu.memory_space<hbm>>
    tpu.wait_dma2 semaphore(%arg14 : memref<!tpu.dma_semaphore, #tpu.memory_space<semaphore_mem>>) src(%arg9 : memref<4x200x64xf32, #tpu.memory_space<vmem>>) dst(%dma_wait3A_153 : memref<4x200x64xf32, #tpu.memory_space<hbm>>)
    return
  }
}

</mosaic_0001>

<sc_bundles>
// kernel: kernel.3.cloned.1.call-start
scs
__scs_entry_jumppad:
0x0: {  	(pc) =	sbr.rel $0x88, $3  }
0x1: {  	(tag) =	ssettag $0x0;
	lr =	simm.s32 $0x1  }
0x2: {  	[smem:$0x3F9E] =	sst lr;
	_ =	strace $0xD0000000  }
0x3: {  	_ = 	snop  }
0x4: {  	_ = 	snop  }
0x5: {  	_ = 	snop  }
0x6: {  	_ = 	snop  }
0x7: {  	_ = 	snop  }
__scs_overlays_trampoline_lowered:
0x8: {  	[smem:$0x3FAD] =	sst s0  }
0x9: {  	[smem:$0x3FAE] =	sst s1  }
0xa: {  	[smem:$0x3FAF] =	sst s2  }
0xb: {  	[smem:$0x3FB0] =	sst s3  }
0xc: {  	[smem:$0x3FB1] =	sst s4  }
0xd: {  	[smem:$0x3FB2] =	sst s5  }
0xe: {  	[smem:$0x3FB3] =	sst s6  }
0xf: {  	[smem:$0x3FB4] =	sst s7  }
0x10: {  	[smem:$0x3FB5] =	sst s8  }
0x11: {  	[smem:$0x3FB6] =	sst s9;
	s0 =	simm.s32 @!p0 $0x0  }
0x12: {  	s1 =	sld [smem:$0x3F9C];
	s0 =	simm.s32 @p0 $0x1  }
0x13: {  	[smem:$0x3FB7] =	sst s0;
	s0 =	simm.s32 @!p1 $0x0  }
0x14: {  	s2 =	sld [smem:$0x3F9B];
	s0 =	simm.s32 @p1 $0x1  }
0x15: {  	[smem:$0x3FB8] =	sst s0;
	s0 =	simm.s32 @!p2 $0x0  }
0x16: {  	s3 =	sld [smem:$0x3FDB];
	s0 =	simm.s32 @p2 $0x1  }
0x17: {  	s4 =	simm.s32 $0x1BF5;
	[smem:$0x3FBA] =	sst s0  }
0x18: {  	s0 =	sld [smem:$0x3F9D];
	_ =	swait.ge [sflag:s4], $0x0  }
0x19: {  	s7 =	sld [smem:$0x3F9E]  }
0x1a: {  	s8 =	sadd.s32 $0xFFFFE003, lr  }
0x1b: {  	s9 =	sadd.s32 $0xFFFFFEF7, lr;
	s5 =	simm.s32 $0xFFFFFFFF;
	p2 =	slt.u32 s8, $0xFFFFF086  }
0x1c: {  	p1 =	slt.u32 s9, $0xF7A;
	s5 =	simm.s32 @!p2 $0x0  }
0x1d: {  	s5 =	simm.s32 @p1 $0x1;
	p0 =	seq.s32 s7, s2  }
0x1e: {  	s7 =	smul.u32 @!p0 $0xF7A, s2;
	p2 =	seq.s32 @!p0 s5, $0x0  }
0x1f: {  	s9 =	smul.u32 $0xF7A, s1;
	s8 =	simm.s32 @!p0 $0x1BF5;
	p2 =	por !p2, p0  }
0x20: {  	[sflag:s8] =	ssyncset.s32 @!p0 $0xFFFFF086;
	s6 =	sadd.s32 @!p0 s3, s7;
	s7 =	simm.s32 @!p0 $0x108  }
0x21: {  	s3 =	sadd.s32 s3, s9;
	s6 =	sadd.s32 @!p0 $0x88, s6;
	s7 =	simm.s32 @p2 $0x1082  }
0x22: {  	[simem:s7], [sflag:s8] =	dma.local @!p0 [hbm:s6], $0xF7A  }
0x23: {  	s9 =	sor.u32 $0xD0000000, s2;
	s6 =	simm.s32 $0x108;
	_ =	swait.ge @!p0 [sflag:s8], $0x0  }
0x24: {  	s3 =	sadd.s32 $0x88, s3;
	s6 =	simm.s32 @!p1 $0x1082;
	[sflag:s4] =	ssyncset.s32 $0xFFFFF086  }
0x25: {  	[simem:s6], [sflag:s4] =	dma.local [hbm:s3], $0xF7A  }
0x26: {  	[smem:$0x3F9E] =	sst s1;
	(tag) =	ssettag s2;
	_ =	strace s9  }
0x27: {  	s1 =	sld [smem:$0x3FAE]  }
0x28: {  	s2 =	sld [smem:$0x3FAF]  }
0x29: {  	s4 =	sld [smem:$0x3FB1]  }
0x2a: {  	p0 =	seq.s32 s5, $0x0;
	s5 =	sld [smem:$0x3FB2]  }
0x2b: {  	s6 =	sld [smem:$0x3FB3]  }
0x2c: {  	s7 =	sld [smem:$0x3FB4]  }
0x2d: {  	s3 =	simm.s32 $0x108;
	s8 =	sld [smem:$0x3FB5]  }
0x2e: {  	s3 =	simm.s32 @!p0 $0x1082;
	s9 =	sld [smem:$0x3FB6]  }
0x2f: {  	lr =	sadd.s32 s0, s3;
	s0 =	sld [smem:$0x3FAD]  }
0x30: {  	s3 =	sld [smem:$0x3FB0]  }
0x31: {  	[smem:$0x3FB9] =	sst s10  }
0x32: {  	s10 =	sld [smem:$0x3FB7];
	_ =	sdelay $0x3  }
0x33: {  	p0 =	seq.s32 s10, $0x1;
	s10 =	sld [smem:$0x3FB9];
	_ =	sdelay $0x3  }
0x34: {  	[smem:$0x3FB9] =	sst s10  }
0x35: {  	s10 =	sld [smem:$0x3FB8];
	_ =	sdelay $0x3  }
0x36: {  	p1 =	seq.s32 s10, $0x1;
	s10 =	sld [smem:$0x3FB9];
	_ =	sdelay $0x3  }
0x37: {  	[smem:$0x3FB9] =	sst s10  }
0x38: {  	s10 =	sld [smem:$0x3FBA]  }
0x39: {  	_ = 	snop;
	(pc) =	sbr.ind lr, $3  }
0x3a: {  	_ = 	snop  }
0x3b: {  	_ = 	snop  }
0x3c: {  	p2 =	seq.s32 s10, $0x1;
	s10 =	sld [smem:$0x3FB9]  }
0x3d: {  	_ =	shalt  }
0x3e: {  	_ =	shalt  }
0x3f: {  	_ =	shalt  }
0x40: {  	_ =	shalt  }
0x41: {  	_ =	shalt  }
0x42: {  	_ =	shalt  }
0x43: {  	_ =	shalt  }
0x44: {  	_ =	shalt  }
0x45: {  	_ =	shalt  }
0x46: {  	_ =	shalt  }
0x47: {  	_ =	shalt  }
0x48: {  	_ =	shalt  }
0x49: {  	_ =	shalt  }
0x4a: {  	_ =	shalt  }
0x4b: {  	_ =	shalt  }
0x4c: {  	_ =	shalt  }
0x4d: {  	_ =	shalt  }
0x4e: {  	_ =	shalt  }
0x4f: {  	_ =	shalt  }
0x50: {  	_ =	shalt  }
0x51: {  	_ =	shalt  }
0x52: {  	_ =	shalt  }
0x53: {  	_ =	shalt  }
0x54: {  	_ =	shalt  }
0x55: {  	_ =	shalt  }
0x56: {  	_ =	shalt  }
0x57: {  	_ =	shalt  }
0x58: {  	_ =	shalt  }
0x59: {  	_ =	shalt  }
0x5a: {  	_ =	shalt  }
0x5b: {  	_ =	shalt  }
0x5c: {  	_ =	shalt  }
0x5d: {  	_ =	shalt  }
0x5e: {  	_ =	shalt  }
0x5f: {  	_ =	shalt  }
0x60: {  	_ =	shalt  }
0x61: {  	_ =	shalt  }
0x62: {  	_ =	shalt  }
0x63: {  	_ =	shalt  }
0x64: {  	_ =	shalt  }
0x65: {  	_ =	shalt  }
0x66: {  	_ =	shalt  }
0x67: {  	_ =	shalt  }
0x68: {  	_ =	shalt  }
0x69: {  	_ =	shalt  }
0x6a: {  	_ =	shalt  }
0x6b: {  	_ =	shalt  }
0x6c: {  	_ =	shalt  }
0x6d: {  	_ =	shalt  }
0x6e: {  	_ =	shalt  }
0x6f: {  	_ =	shalt  }
0x70: {  	_ =	shalt  }
0x71: {  	_ =	shalt  }
0x72: {  	_ =	shalt  }
0x73: {  	_ =	shalt  }
0x74: {  	_ =	shalt  }
0x75: {  	_ =	shalt  }
0x76: {  	_ =	shalt  }
0x77: {  	_ =	shalt  }
0x78: {  	_ =	shalt  }
0x79: {  	_ =	shalt  }
0x7a: {  	_ =	shalt  }
0x7b: {  	_ =	shalt  }
0x7c: {  	_ =	shalt  }
0x7d: {  	_ =	shalt  }
0x7e: {  	_ =	shalt  }
0x7f: {  	_ =	shalt  }
0x80: {  	_ =	shalt  }
0x81: {  	_ =	shalt  }
0x82: {  	_ =	shalt  }
0x83: {  	_ =	shalt  }
0x84: {  	_ =	shalt  }
0x85: {  	_ =	shalt  }
0x86: {  	_ =	shalt  }
0x87: {  	_ =	shalt  }
.Lfunc_end0:
.L_simem_size_0:
called_computation.1_lowered:
.L_overlay_start_0:
0x88: {  	s2 =	sld [smem:$0x3FD9]  }
0x89: {  	s3 =	sld [smem:$0x3FFE];
	_ =	sdelay $0x1  }
0x8a: {  	s1 =	srdreg.scid  }
0x8b: {  	s0 =	sand.u32 $0x1, s1  }
0x8c: {  	s17 =	sshll.u32 s0, $0xA;
	s2 =	sadd.s32 s3, s2  }
0x8d: {  	s2 =	sadd.s32 s2, s17  }
0x8e: {  	[smem:$0x3FC5] =	sst s2  }
0x8f: {  	_ = 	snop  }
0x90: {  	s2 =	sld [smem:$0x3FD0];
	(tm) =	ssettm $0x1  }
0x91: {  	s18 =	sld [smem:$0x3FFB];
	_ =	sdelay $0x3  }
0x92: {  	_ =	strace s18  }
0x93: {  	s3 =	sld [smem:$0x3FFC];
	_ =	sdelay $0x3  }
0x94: {  	_ =	strace s3  }
0x95: {  	s3 =	sld [smem:$0x3FFD];
	_ =	sdelay $0x3  }
0x96: {  	_ =	strace s3  }
0x97: {  	_ =	strace $0x8FFFFFFF  }
0x98: {  	s19 =	sld [smem:$0x3FDB];
	_ =	sdelay $0x1  }
0x99: {  	s4 =	simm.s32 $_scs_section_size  }
0x9a: {  	s5 =	simm.s32 $_size__tile_overlayer_lowered;
	s6 =	simm.s32 $_tile_overlayer_lowered  }
0x9b: {  	s22 =	simm.s32 $0x1BFF;
	s21 =	sshll.u32 s6, $0x1;
	s3 =	sadd.s32 s4, s19  }
0x9c: {  	s7 =	simm.s32 $0x0;
	s20 =	sshll.u32 s5, $0x1;
	s5 =	sadd.s32 s21, s3  }
0x9d: {  	[timem:s7], [sflag:s22] =	dma.local [hbm:s5], s20  }
0x9e: {  	_ =	swait.ge [sflag:s22], s20  }
0x9f: {  	s4 =	ssub.s32 $0x0, s20;
	[sflag:s22] =	ssyncset.done $0x0  }
0xa0: {  	[sflag:s22] =	ssyncadd.s32 s4;
	_ =	sdelay $0x1  }
0xa1: {  	s23 =	simm.s32 $0x1B8B  }
0xa2: {  	_ =	swait.ge [sflag:s23], $0x1  }
0xa3: {  	[sflag:s23] =	ssyncset.done $0x0  }
0xa4: {  	s25 =	simm.s32 $0x1B8E;
	s24 =	sld [smem:$0x3FFE];
	[sflag:s23] =	ssyncadd.s32 $0xFFFFFFFF  }
0xa5: {  	s26 =	simm.s32 $execute0_lowered;
	[smem:$0x3FD2] =	sst s25  }
0xa6: {  	s5 =	sshll.u32 s26, $0x1;
	_ =	strace $0x80000046;
	[dreg:$0x1] =	wrdreg $0xFFFFFFFF  }
0xa7: {  	s28 =	simm.s32 $_size_execute0_lowered;
	s3 =	sadd.s32 s3, s5;
	[dreg:$0x0] =	wrdreg $0x0  }
0xa8: {  	s5 =	sshll.u32 s28, $0x1;
	[dreg:$0x2] =	wrdreg s3  }
0xa9: {  	[dreg:$0x3] =	wrdreg s5  }
0xaa: {  	[dreg:$0x4] =	wrdreg $0xC0  }
0xab: {  	_ =	task [dreg:s7], $0x5FFFF  }
0xac: {  	[dreg:$0x1] =	wrdreg $0xFFFFFFFF  }
0xad: {  	[dreg:$0x0] =	wrdreg $0x60  }
0xae: {  	[dreg:$0x2] =	wrdreg s24  }
0xaf: {  	[dreg:$0x3] =	wrdreg s2  }
0xb0: {  	[dreg:$0x4] =	wrdreg $0x9  }
0xb1: {  	_ =	task.clear_ibuf [dreg:s7], $0x5FFFF;
	_ =	strace $0x90000046  }
0xb2: {  	s29 =	simm.s32 $0x9;
	_ =	strace $0x80000048  }
0xb3: {  	_ =	swait.ge [sflag:s29], $0x1  }
0xb4: {  	[sflag:s29] =	ssyncadd.s32 $0xFFFFFFFF  }
0xb5: {  	_ =	strace $0x90000048  }
0xb6: {  	_ =	sfence  }
0xb7: {  	s30 =	sld [smem:$0x0];
	_ =	sdelay $0x2  }
0xb8: {  	s31 =	sshll.u32 s1, $0xD;
	s1 =	sshrl.u32 s1, $0x2  }
0xb9: {  	s3 =	sand.u32 $0x4000, s31;
	s1 =	sadd.s32 s1, s30  }
0xba: {  	s0 =	sor.u32 s3, s0;
	s1 =	sshll.u32 s1, $0x11  }
0xbb: {  	s0 =	sor.u32 s1, s0  }
0xbc: {  	s0 =	sadd.s32 $0x8F2B, s0  }
0xbd: {  	[sflag:s0] =	ssyncadd.remote.s32 $0x1  }
0xbe: {  	_ =	sfence.sel $0xFFFF  }
0xbf: {  	[dreg:$0x0] =	wrdreg $0xFFFFFFFF;
	(pc) =	sbr.abs _section_cstart, $3  }
0xc0: {  	[dreg:$0x1] =	wrdreg $0xFFFFFFFF  }
0xc1: {  	_ =	task.clear_ibuf [dreg:s7], $0x2FFFF;
	_ =	strace $0x9FFFFFFF  }
0xc2: {  	(tm) =	ssettm $0x7FFFFFFF  }
0xc3: {  	_ =	shalt  }
tec
execute0_lowered:
.L_overlay_start_1:
0x0: {  	(tag) =	ssettag $0x1  }
0x1: {  	s0 =	rddreg [dreg:$0x0]  }
0x2: {  	s2 =	rddreg [dreg:$0x1]  }
0x3: {  	s3 =	simm.s32 $0x0;
	s1 =	srdreg.scid;
	s4 =	stileid.u32  }
0x4: {  	s13 =	simm.s32 $0x5;
	s14 =	simm.s32 $0x64;
	s31 =	simm.s32 $0x340  }
0x5: {  	s17 =	simm.s32 $0x10080;
	s18 =	simm.s32 $0x478;
	s19 =	simm.s32 $0x11980  }
0x6: {  	s20 =	simm.s32 $0x4E0;
	s21 =	simm.s32 $0x13280;
	s22 =	simm.s32 $0x548  }
0x7: {  	s23 =	simm.s32 $0x14B80;
	s24 =	simm.s32 $0x5B0;
	s28 =	simm.s32 $0x17D80  }
0x8: {  	s29 =	simm.s32 $0x1;
	s30 =	simm.s32 $0x3;
	s10 =	simm.s32 $0x0  }
0x9: {  	[smem:$0x7FF] =	sst s3;
	s1 =	sand.u32 $0x1, s1;
	s4 =	sshll.u32 s4, $0x1  }
0xa: {  	s5 =	sadd.s32 $0x1B200, s0;
	_ =	strace $0x80000047;
	s6 =	sor.u32 s1, s4  }
0xb: {  	s4 =	sadd.s32 $0x1200, s0;
	s1 =	ssub.s32 $0x2, s1;
	s0 =	sadd.s32 $0xA00, s0  }
0xc: {  	s8 =	smul.u32 $0xD00, s6;
	[dreg:$0x3] =	wrdreg s0;
	s25 =	sshrl.u32 s1, $0x1  }
0xd: {  	s7 =	sshll.u32 s6, $0x7;
	s6 =	simm.s32 $0x2;
	s0 =	ssub.s32 s1, s25  }
0xe: {  	s9 =	sor.u32 $0x8, s7;
	s11 =	sor.u32 $0x4, s7;
	s26 =	sadd.s32 s4, s8  }
0xf: {  	s25 =	simm.s32 $0x16480;
	s0 =	smax.u32 s0, $0x1;
	[dreg:$0x4] =	wrdreg s26  }
0x10: {  	[dreg:$0x5] =	wrdreg s0;
	s0 =	simm.s32 $0xCE80;
	s26 =	simm.s32 $0x618  }
.LBB2_1:
0x11: {  	[dreg:$0x6] =	wrdreg s10  }
0x12: {  	s1 =	rddreg [dreg:$0x3];
	s8 =	simm.s32 $0x19680  }
0x13: {  	[tilespmem:s8], [sflag:$0x5] =	stream.linear.gather [hbm4b:s1+s3], $0x3200, $0x38;
	[tilespmem:$0x1C880] =	vst v63  }
0x14: {  	_ =	swait.ge [sflag:s13], $0x3200  }
0x15: {  	[sflag:s13] =	ssyncset.done $0x0  }
0x16: {  	s10 =	rddreg [dreg:$0x4];
	[sflag:s13] =	ssyncadd.s32 $0xFFFFCE00  }
0x17: {  	[tilespmem:s3], [sflag:$0x5] =	stream.linear.gather [hbm4b:s10+s3], $0x340, $0x38;
	[tilespmem:$0x1C880] =	vst v63  }
0x18: {  	_ =	swait.ge [sflag:s13], $0x340  }
0x19: {  	[sflag:s13] =	ssyncset.done $0x0  }
0x1a: {  	s12 =	simm.s32 $0x680;
	[sflag:s13] =	ssyncadd.s32 $0xFFFFFCC0  }
0x1b: {  	[tilespmem:s12], [sflag:$0x1] =	stream.indirect.gather [hbm4b:s5+s14], $0x40, s3, s14, $0xb8;
	[tilespmem:$0x1C880] =	vst v63  }
0x1c: {  	s15 =	simm.s32 $0x68;
	s16 =	simm.s32 $0x1F80  }
0x1d: {  	[tilespmem:s16], [sflag:$0x1] =	stream.indirect.gather [hbm4b:s5+s14], $0x40, s15, s14, $0xb8;
	[tilespmem:$0x1C880] =	vst v63  }
0x1e: {  	s10 =	simm.s32 $0xD0;
	s12 =	simm.s32 $0x3880  }
0x1f: {  	[tilespmem:s12], [sflag:$0x1] =	stream.indirect.gather [hbm4b:s5+s14], $0x40, s10, s14, $0xb8;
	[tilespmem:$0x1C880] =	vst v63  }
0x20: {  	s15 =	simm.s32 $0x138;
	s16 =	simm.s32 $0x5180  }
0x21: {  	[tilespmem:s16], [sflag:$0x1] =	stream.indirect.gather [hbm4b:s5+s14], $0x40, s15, s14, $0xb8;
	[tilespmem:$0x1C880] =	vst v63  }
0x22: {  	s10 =	simm.s32 $0x1A0;
	s12 =	simm.s32 $0x6A80  }
0x23: {  	[tilespmem:s12], [sflag:$0x1] =	stream.indirect.gather [hbm4b:s5+s14], $0x40, s10, s14, $0xb8;
	[tilespmem:$0x1C880] =	vst v63  }
0x24: {  	s15 =	simm.s32 $0x208;
	s16 =	simm.s32 $0x8380  }
0x25: {  	[tilespmem:s16], [sflag:$0x1] =	stream.indirect.gather [hbm4b:s5+s14], $0x40, s15, s14, $0xb8;
	[tilespmem:$0x1C880] =	vst v63  }
0x26: {  	s10 =	simm.s32 $0x270;
	s12 =	simm.s32 $0x9C80  }
0x27: {  	[tilespmem:s12], [sflag:$0x1] =	stream.indirect.gather [hbm4b:s5+s14], $0x40, s10, s14, $0xb8;
	[tilespmem:$0x1C880] =	vst v63  }
0x28: {  	s8 =	simm.s32 $0x0;
	s15 =	simm.s32 $0x2D8;
	s16 =	simm.s32 $0xB580  }
0x29: {  	[tilespmem:s16], [sflag:$0x1] =	stream.indirect.gather [hbm4b:s5+s14], $0x40, s15, s14, $0xb8;
	[tilespmem:$0x1C880] =	vst v63  }
.LBB2_2:
0x2a: {  	s15 =	sshll.u32 s8, $0x3;
	p0 =	seq.s32 s8, $0x0  }
0x2b: {  	s1 =	simm.s32 @!p0 $0x4;
	s10 =	sor.u32 s11, s15  }
0x2c: {  	_ =	swait.ge @!p0 [sflag:s1], $0xC800;
	s12 =	smul.u32 $0x1A, s10  }
0x2d: {  	[sflag:s1] =	ssyncset.done @!p0 $0x0  }
0x2e: {  	s16 =	simm.s32 $0x0;
	[sflag:s1] =	ssyncadd.s32 @!p0 $0xFFFF3800;
	s12 =	sadd.s32 s4, s12  }
0x2f: {  	[tilespmem:s31], [sflag:$0x5] =	stream.linear.gather [hbm4b:s12+s16], $0x340, $0x38;
	[tilespmem:$0x1C880] =	vst v63  }
0x30: {  	_ =	swait.ge [sflag:s13], $0x340  }
0x31: {  	[sflag:s13] =	ssyncset.done $0x0  }
0x32: {  	[sflag:s13] =	ssyncadd.s32 $0xFFFFFCC0  }
0x33: {  	[tilespmem:s0], [sflag:$0x2] =	stream.indirect.gather [hbm4b:s5+s14], $0x40, s31, s14, $0xb8;
	[tilespmem:$0x1C880] =	vst v63  }
0x34: {  	s12 =	simm.s32 $0x3A8;
	s16 =	simm.s32 $0xE780  }
0x35: {  	[tilespmem:s16], [sflag:$0x2] =	stream.indirect.gather [hbm4b:s5+s14], $0x40, s12, s14, $0xb8;
	[tilespmem:$0x1C880] =	vst v63  }
0x36: {  	s16 =	simm.s32 $0x410  }
0x37: {  	[tilespmem:s17], [sflag:$0x2] =	stream.indirect.gather [hbm4b:s5+s14], $0x40, s16, s14, $0xb8;
	[tilespmem:$0x1C880] =	vst v63  }
0x38: {  	_ = 	snop  }
0x39: {  	[tilespmem:s19], [sflag:$0x2] =	stream.indirect.gather [hbm4b:s5+s14], $0x40, s18, s14, $0xb8;
	[tilespmem:$0x1C880] =	vst v63  }
0x3a: {  	_ = 	snop  }
0x3b: {  	[tilespmem:s21], [sflag:$0x2] =	stream.indirect.gather [hbm4b:s5+s14], $0x40, s20, s14, $0xb8;
	[tilespmem:$0x1C880] =	vst v63  }
0x3c: {  	_ = 	snop  }
0x3d: {  	[tilespmem:s23], [sflag:$0x2] =	stream.indirect.gather [hbm4b:s5+s14], $0x40, s22, s14, $0xb8;
	[tilespmem:$0x1C880] =	vst v63  }
0x3e: {  	_ = 	snop  }
0x3f: {  	[tilespmem:s25], [sflag:$0x2] =	stream.indirect.gather [hbm4b:s5+s14], $0x40, s24, s14, $0xb8;
	[tilespmem:$0x1C880] =	vst v63  }
0x40: {  	_ = 	snop  }
0x41: {  	[tilespmem:s28], [sflag:$0x2] =	stream.indirect.gather [hbm4b:s5+s14], $0x40, s26, s14, $0xb8;
	[tilespmem:$0x1C880] =	vst v63  }
0x42: {  	_ =	swait.ge [sflag:s29], $0xC800  }
0x43: {  	[sflag:s29] =	ssyncset.done $0x0  }
0x44: {  	s1 =	simm.s32 $0x0;
	[sflag:s29] =	ssyncadd.s32 $0xFFFF3800  }
0x45: {  	v2 =	vld [tilespmem:s1+$0x19680]  }
0x46: {  	v5 =	vld [tilespmem:s1+$0x19690]  }
0x47: {  	v1 =	vld [tilespmem:s1+$0x196A0]  }
0x48: {  	v3 =	vld [tilespmem:s1+$0x680]  }
0x49: {  	v4 =	vld [tilespmem:s1+$0x3880]  }
0x4a: {  	v6 =	vld [tilespmem:s1+$0x6A80]  }
0x4b: {  	v7 =	vld [tilespmem:s1+$0x9C80]  }
0x4c: {  	v8 =	vld [tilespmem:s1+$0x690]  }
0x4d: {  	v9 =	vld [tilespmem:s1+$0x3890]  }
0x4e: {  	v0 =	vld [tilespmem:s1+$0x196B0];
	v3 =	vadd.f32 v3, v2  }
0x4f: {  	v11 =	vld [tilespmem:s1+$0x9C90];
	v4 =	vadd.f32 v4, v2  }
0x50: {  	v10 =	vld [tilespmem:s1+$0x6A90];
	[tilespmem:s1+$0x680] =	vst v3;
	v3 =	vadd.f32 v6, v2  }
0x51: {  	[tilespmem:s1+$0x3880] =	vst v4;
	v6 =	vld [tilespmem:s1+$0x6A0];
	v2 =	vadd.f32 v7, v2  }
0x52: {  	v7 =	vld [tilespmem:s1+$0x38A0];
	v4 =	vadd.f32 v8, v5;
	v8 =	vadd.f32 v9, v5;
	[tilespmem:s1+$0x6A80] =	vst v3  }
0x53: {  	[tilespmem:s1+$0x9C80] =	vst v2;
	v3 =	vld [tilespmem:s1+$0x6AA0]  }
0x54: {  	v2 =	vld [tilespmem:s1+$0x9CA0];
	[tilespmem:s1+$0x3890] =	vst v8;
	v8 =	vadd.f32 v11, v5  }
0x55: {  	v9 =	vadd.f32 v10, v5;
	[tilespmem:s1+$0x690] =	vst v4;
	v4 =	vld [tilespmem:s1+$0x6B0]  }
0x56: {  	v5 =	vld [tilespmem:s1+$0x38B0];
	[tilespmem:s1+$0x9C90] =	vst v8;
	v8 =	vadd.f32 v6, v1  }
0x57: {  	s12 =	simm.s32 $0x100;
	[tilespmem:s1+$0x6A90] =	vst v9;
	v7 =	vadd.f32 v7, v1;
	v6 =	vld [tilespmem:s1+$0x6AB0]  }
.LBB2_3:
0x58: {  	s16 =	sshra.s32 s12, $0x2;
	p0 =	sne.s32 s12, $0xC700;
	[tilespmem:s1+$0x6A0] =	vst v8;
	v3 =	vadd.f32 v3, v1;
	v8 =	vld [tilespmem:s1+$0x9CB0]  }
0x59: {  	v9 =	vld [tilespmem:s16+$0x19680];
	[tilespmem:s1+$0x38A0] =	vst v7;
	v2 =	vadd.f32 v2, v1  }
0x5a: {  	v7 =	vld [tilespmem:s16+$0x19690];
	[tilespmem:s1+$0x6AA0] =	vst v3;
	v3 =	vadd.f32 v4, v0  }
0x5b: {  	v1 =	vld [tilespmem:s16+$0x196A0];
	[tilespmem:s1+$0x9CA0] =	vst v2;
	v2 =	vadd.f32 v5, v0  }
0x5c: {  	v4 =	vld [tilespmem:s16+$0x196B0];
	[tilespmem:s1+$0x6B0] =	vst v3;
	v3 =	vadd.f32 v6, v0  }
0x5d: {  	v5 =	vld [tilespmem:s16+$0x680];
	[tilespmem:s1+$0x38B0] =	vst v2;
	v0 =	vadd.f32 v8, v0  }
0x5e: {  	v2 =	vld [tilespmem:s16+$0x3880];
	[tilespmem:s1+$0x6AB0] =	vst v3  }
0x5f: {  	v3 =	vld [tilespmem:s16+$0x6A80];
	[tilespmem:s1+$0x9CB0] =	vst v0;
	s1 =	smov.u32 s16  }
0x60: {  	v6 =	vld [tilespmem:s1+$0x9C80]  }
0x61: {  	v8 =	vld [tilespmem:s1+$0x690];
	v0 =	vmov v4  }
0x62: {  	v4 =	vadd.f32 v5, v9;
	v5 =	vld [tilespmem:s1+$0x3890]  }
0x63: {  	v2 =	vadd.f32 v2, v9;
	v10 =	vld [tilespmem:s1+$0x6A90]  }
0x64: {  	[tilespmem:s1+$0x680] =	vst v4;
	v3 =	vadd.f32 v3, v9;
	v4 =	vld [tilespmem:s1+$0x9C90]  }
0x65: {  	[tilespmem:s1+$0x3880] =	vst v2;
	v2 =	vadd.f32 v6, v9;
	v6 =	vld [tilespmem:s1+$0x6A0]  }
0x66: {  	[tilespmem:s1+$0x6A80] =	vst v3;
	v8 =	vadd.f32 v8, v7;
	v9 =	vld [tilespmem:s1+$0x38A0]  }
.Ltmp0:
0x67: {  	[tilespmem:s1+$0x9C80] =	vst v2;
	v5 =	vadd.f32 v5, v7;
	v3 =	vld [tilespmem:s1+$0x6AA0];
	(pc) =	sbr.rel @p0 .LBB2_3-.Ltmp0, $4  }
0x68: {  	[tilespmem:s1+$0x690] =	vst v8;
	v8 =	vadd.f32 v10, v7;
	v2 =	vld [tilespmem:s1+$0x9CA0]  }
0x69: {  	[tilespmem:s1+$0x3890] =	vst v5;
	v7 =	vadd.f32 v4, v7;
	v4 =	vld [tilespmem:s1+$0x6B0]  }
0x6a: {  	[tilespmem:s1+$0x6A90] =	vst v8;
	v8 =	vadd.f32 v6, v1;
	v5 =	vld [tilespmem:s1+$0x38B0]  }
0x6b: {  	s12 =	sadd.s32 $0x100, s12;
	[tilespmem:s1+$0x9C90] =	vst v7;
	v7 =	vadd.f32 v9, v1;
	v6 =	vld [tilespmem:s1+$0x6AB0]  }
0x6c: {  	[tilespmem:s1+$0x6A0] =	vst v8;
	v3 =	vadd.f32 v3, v1;
	v8 =	vld [tilespmem:s1+$0x9CB0]  }
0x6d: {  	[tilespmem:s1+$0x38A0] =	vst v7;
	v1 =	vadd.f32 v2, v1  }
0x6e: {  	[tilespmem:s1+$0x6AA0] =	vst v3;
	v2 =	vadd.f32 v4, v0  }
0x6f: {  	[tilespmem:s1+$0x9CA0] =	vst v1;
	v1 =	vadd.f32 v5, v0  }
0x70: {  	s12 =	sadd.s32 s7, s15;
	[tilespmem:s1+$0x6B0] =	vst v2;
	v2 =	vadd.f32 v6, v0  }
0x71: {  	s12 =	smul.u32 $0x640, s12;
	[tilespmem:s1+$0x38B0] =	vst v1;
	v0 =	vadd.f32 v8, v0  }
0x72: {  	p0 =	seq.s32 s8, $0xF;
	[tilespmem:s1+$0x6AB0] =	vst v2  }
0x73: {  	s16 =	simm.s32 $0x680;
	s12 =	sadd.s32 s2, s12;
	[tilespmem:s1+$0x9CB0] =	vst v0;
	s1 =	sadd.s32 @!p0 s15, s9  }
0x74: {  	[hbm4b:s12+s3] =	stream.linear.scatter [tilespmem:s16], [sflag:$0x3], $0xC800, $0x38;
	[tilespmem:$0x1C880] =	vst v63  }
0x75: {  	s1 =	smul.u32 @!p0 $0x1A, s1;
	_ =	swait.ge [sflag:s30], $0xC800  }
0x76: {  	[sflag:s30] =	ssyncset.done $0x0  }
0x77: {  	s12 =	simm.s32 @!p0 $0x0;
	s1 =	sadd.s32 @!p0 s4, s1;
	[sflag:s30] =	ssyncadd.s32 $0xFFFF3800  }
0x78: {  	[tilespmem:s12], [sflag:$0x5] =	stream.linear.gather @!p0 [hbm4b:s1+s12], $0x340, $0x38;
	[tilespmem:$0x1C880] =	vst v63  }
0x79: {  	s1 =	simm.s32 @!p0 $0x5  }
0x7a: {  	_ =	swait.ge @!p0 [sflag:s1], $0x340  }
0x7b: {  	[sflag:s1] =	ssyncset.done @!p0 $0x0  }
0x7c: {  	s15 =	simm.s32 @!p0 $0x680;
	[sflag:s1] =	ssyncadd.s32 @!p0 $0xFFFFFCC0;
	s1 =	simm.s32 @!p0 $0x64  }
0x7d: {  	[tilespmem:s15], [sflag:$0x1] =	stream.indirect.gather @!p0 [hbm4b:s5+s1], $0x40, s12, s1, $0xb8;
	[tilespmem:$0x1C880] =	vst v63  }
0x7e: {  	s12 =	simm.s32 @!p0 $0x68;
	s15 =	simm.s32 @!p0 $0x1F80  }
0x7f: {  	[tilespmem:s15], [sflag:$0x1] =	stream.indirect.gather @!p0 [hbm4b:s5+s1], $0x40, s12, s1, $0xb8;
	[tilespmem:$0x1C880] =	vst v63  }
0x80: {  	s12 =	simm.s32 @!p0 $0xD0;
	s15 =	simm.s32 @!p0 $0x3880  }
0x81: {  	[tilespmem:s15], [sflag:$0x1] =	stream.indirect.gather @!p0 [hbm4b:s5+s1], $0x40, s12, s1, $0xb8;
	[tilespmem:$0x1C880] =	vst v63  }
0x82: {  	s12 =	simm.s32 @!p0 $0x138;
	s15 =	simm.s32 @!p0 $0x5180  }
0x83: {  	[tilespmem:s15], [sflag:$0x1] =	stream.indirect.gather @!p0 [hbm4b:s5+s1], $0x40, s12, s1, $0xb8;
	[tilespmem:$0x1C880] =	vst v63  }
0x84: {  	s12 =	simm.s32 @!p0 $0x1A0;
	s15 =	simm.s32 @!p0 $0x6A80  }
0x85: {  	[tilespmem:s15], [sflag:$0x1] =	stream.indirect.gather @!p0 [hbm4b:s5+s1], $0x40, s12, s1, $0xb8;
	[tilespmem:$0x1C880] =	vst v63  }
0x86: {  	s12 =	simm.s32 @!p0 $0x208;
	s15 =	simm.s32 @!p0 $0x8380  }
0x87: {  	[tilespmem:s15], [sflag:$0x1] =	stream.indirect.gather @!p0 [hbm4b:s5+s1], $0x40, s12, s1, $0xb8;
	[tilespmem:$0x1C880] =	vst v63  }
0x88: {  	s12 =	simm.s32 @!p0 $0x270;
	s15 =	simm.s32 @!p0 $0x9C80  }
0x89: {  	[tilespmem:s15], [sflag:$0x1] =	stream.indirect.gather @!p0 [hbm4b:s5+s1], $0x40, s12, s1, $0xb8;
	[tilespmem:$0x1C880] =	vst v63  }
0x8a: {  	s12 =	simm.s32 @!p0 $0x2D8;
	s15 =	simm.s32 @!p0 $0xB580  }
0x8b: {  	[tilespmem:s15], [sflag:$0x1] =	stream.indirect.gather @!p0 [hbm4b:s5+s1], $0x40, s12, s1, $0xb8;
	[tilespmem:$0x1C880] =	vst v63  }
0x8c: {  	_ =	swait.ge [sflag:s6], $0xC800  }
0x8d: {  	[sflag:s6] =	ssyncset.done $0x0  }
0x8e: {  	s1 =	simm.s32 $0x0;
	[sflag:s6] =	ssyncadd.s32 $0xFFFF3800  }
0x8f: {  	v2 =	vld [tilespmem:s1+$0x19680]  }
0x90: {  	v5 =	vld [tilespmem:s1+$0x19690]  }
0x91: {  	v1 =	vld [tilespmem:s1+$0x196A0]  }
0x92: {  	v3 =	vld [tilespmem:s1+$0xCE80]  }
0x93: {  	v4 =	vld [tilespmem:s1+$0x10080]  }
0x94: {  	v6 =	vld [tilespmem:s1+$0x13280]  }
0x95: {  	v7 =	vld [tilespmem:s1+$0x16480]  }
0x96: {  	v8 =	vld [tilespmem:s1+$0xCE90]  }
0x97: {  	v9 =	vld [tilespmem:s1+$0x10090]  }
0x98: {  	v0 =	vld [tilespmem:s1+$0x196B0];
	v3 =	vadd.f32 v3, v2  }
0x99: {  	v11 =	vld [tilespmem:s1+$0x16490];
	v4 =	vadd.f32 v4, v2  }
0x9a: {  	v10 =	vld [tilespmem:s1+$0x13290];
	[tilespmem:s1+$0xCE80] =	vst v3;
	v3 =	vadd.f32 v6, v2  }
0x9b: {  	[tilespmem:s1+$0x10080] =	vst v4;
	v6 =	vld [tilespmem:s1+$0xCEA0];
	v2 =	vadd.f32 v7, v2  }
0x9c: {  	v7 =	vld [tilespmem:s1+$0x100A0];
	v4 =	vadd.f32 v8, v5;
	v8 =	vadd.f32 v9, v5;
	[tilespmem:s1+$0x13280] =	vst v3  }
0x9d: {  	[tilespmem:s1+$0x16480] =	vst v2;
	v3 =	vld [tilespmem:s1+$0x132A0]  }
0x9e: {  	v2 =	vld [tilespmem:s1+$0x164A0];
	[tilespmem:s1+$0x10090] =	vst v8;
	v8 =	vadd.f32 v11, v5  }
0x9f: {  	v9 =	vadd.f32 v10, v5;
	[tilespmem:s1+$0xCE90] =	vst v4;
	v4 =	vld [tilespmem:s1+$0xCEB0]  }
0xa0: {  	v5 =	vld [tilespmem:s1+$0x100B0];
	[tilespmem:s1+$0x16490] =	vst v8;
	v8 =	vadd.f32 v6, v1  }
0xa1: {  	s12 =	simm.s32 $0x100;
	[tilespmem:s1+$0x13290] =	vst v9;
	v7 =	vadd.f32 v7, v1;
	v6 =	vld [tilespmem:s1+$0x132B0]  }
.LBB2_5:
0xa2: {  	s15 =	sshra.s32 s12, $0x2;
	p0 =	sne.s32 s12, $0xC700;
	[tilespmem:s1+$0xCEA0] =	vst v8;
	v3 =	vadd.f32 v3, v1;
	v8 =	vld [tilespmem:s1+$0x164B0]  }
0xa3: {  	v9 =	vld [tilespmem:s15+$0x19680];
	[tilespmem:s1+$0x100A0] =	vst v7;
	v2 =	vadd.f32 v2, v1  }
0xa4: {  	v7 =	vld [tilespmem:s15+$0x19690];
	[tilespmem:s1+$0x132A0] =	vst v3;
	v3 =	vadd.f32 v4, v0  }
0xa5: {  	v1 =	vld [tilespmem:s15+$0x196A0];
	[tilespmem:s1+$0x164A0] =	vst v2;
	v2 =	vadd.f32 v5, v0  }
0xa6: {  	v4 =	vld [tilespmem:s15+$0x196B0];
	[tilespmem:s1+$0xCEB0] =	vst v3;
	v3 =	vadd.f32 v6, v0  }
0xa7: {  	v5 =	vld [tilespmem:s15+$0xCE80];
	[tilespmem:s1+$0x100B0] =	vst v2;
	v0 =	vadd.f32 v8, v0  }
0xa8: {  	v2 =	vld [tilespmem:s15+$0x10080];
	[tilespmem:s1+$0x132B0] =	vst v3  }
0xa9: {  	v3 =	vld [tilespmem:s15+$0x13280];
	[tilespmem:s1+$0x164B0] =	vst v0;
	s1 =	smov.u32 s15  }
0xaa: {  	v6 =	vld [tilespmem:s1+$0x16480]  }
0xab: {  	v8 =	vld [tilespmem:s1+$0xCE90];
	v0 =	vmov v4  }
0xac: {  	v4 =	vadd.f32 v5, v9;
	v5 =	vld [tilespmem:s1+$0x10090]  }
0xad: {  	v2 =	vadd.f32 v2, v9;
	v10 =	vld [tilespmem:s1+$0x13290]  }
0xae: {  	[tilespmem:s1+$0xCE80] =	vst v4;
	v3 =	vadd.f32 v3, v9;
	v4 =	vld [tilespmem:s1+$0x16490]  }
0xaf: {  	[tilespmem:s1+$0x10080] =	vst v2;
	v2 =	vadd.f32 v6, v9;
	v6 =	vld [tilespmem:s1+$0xCEA0]  }
0xb0: {  	[tilespmem:s1+$0x13280] =	vst v3;
	v8 =	vadd.f32 v8, v7;
	v9 =	vld [tilespmem:s1+$0x100A0]  }
.Ltmp1:
0xb1: {  	[tilespmem:s1+$0x16480] =	vst v2;
	v5 =	vadd.f32 v5, v7;
	v3 =	vld [tilespmem:s1+$0x132A0];
	(pc) =	sbr.rel @p0 .LBB2_5-.Ltmp1, $4  }
0xb2: {  	[tilespmem:s1+$0xCE90] =	vst v8;
	v8 =	vadd.f32 v10, v7;
	v2 =	vld [tilespmem:s1+$0x164A0]  }
0xb3: {  	[tilespmem:s1+$0x10090] =	vst v5;
	v7 =	vadd.f32 v4, v7;
	v4 =	vld [tilespmem:s1+$0xCEB0]  }
0xb4: {  	[tilespmem:s1+$0x13290] =	vst v8;
	v8 =	vadd.f32 v6, v1;
	v5 =	vld [tilespmem:s1+$0x100B0]  }
0xb5: {  	s12 =	sadd.s32 $0x100, s12;
	[tilespmem:s1+$0x16490] =	vst v7;
	v7 =	vadd.f32 v9, v1;
	v6 =	vld [tilespmem:s1+$0x132B0]  }
0xb6: {  	[tilespmem:s1+$0xCEA0] =	vst v8;
	v3 =	vadd.f32 v3, v1;
	v58 =	vld [tilespmem:s1+$0x164B0]  }
0xb7: {  	[tilespmem:s1+$0x100A0] =	vst v7;
	v59 =	vadd.f32 v2, v1  }
0xb8: {  	s8 =	sadd.s32 $0x1, s8;
	[tilespmem:s1+$0x132A0] =	vst v3;
	v60 =	vadd.f32 v4, v0  }
0xb9: {  	p0 =	sne.s32 s8, $0x10;
	[tilespmem:s1+$0x164A0] =	vst v59;
	v61 =	vadd.f32 v5, v0  }
.Ltmp2:
0xba: {  	[tilespmem:s1+$0xCEB0] =	vst v60;
	v62 =	vadd.f32 v6, v0;
	(pc) =	sbr.rel @p0 .LBB2_2-.Ltmp2, $4  }
0xbb: {  	s10 =	smul.u32 $0x640, s10;
	[tilespmem:s1+$0x100B0] =	vst v61;
	v63 =	vadd.f32 v58, v0  }
0xbc: {  	[tilespmem:s1+$0x132B0] =	vst v62  }
0xbd: {  	s16 =	sadd.s32 s2, s10;
	[tilespmem:s1+$0x164B0] =	vst v63  }
0xbe: {  	[hbm4b:s16+s3] =	stream.linear.scatter [tilespmem:s0], [sflag:$0x4], $0xC800, $0x38;
	[tilespmem:$0x1C880] =	vst v63  }
0xbf: {  	s8 =	simm.s32 $0x4  }
0xc0: {  	_ =	swait.ge [sflag:s8], $0xC800  }
0xc1: {  	s10 =	rddreg [dreg:$0x6]  }
0xc2: {  	s1 =	rddreg [dreg:$0x5];
	s10 =	sadd.s32 $0x1, s10  }
0xc3: {  	p0 =	sne.s32 s10, s1  }
.Ltmp3:
0xc4: {  	_ = 	snop;
	(pc) =	sbr.rel @p0 .LBB2_1-.Ltmp3, $3  }
0xc5: {  	_ =	sdelay $0x1  }
0xc6: {  	[sflag:s8] =	ssyncset.done $0x0  }
0xc7: {  	[sflag:s8] =	ssyncadd.s32 $0xFFFF3800  }
0xc8: {  	_ =	sfence.sel $0x180000  }
0xc9: {  	[bflag:$0x0] =	sbarrier.arrive $0xFFFF  }
0xca: {  	_ =	strace $0x90000047  }
0xcb: {  	s0 =	stileid.u32;
	[bflag:$0x2] =	sbarrier.arrive $0xFFFF  }
0xcc: {  	p0 =	sne.s32 s0, $0x0;
	s0 =	rddreg [dreg:$0x2]  }
0xcd: {  	s0 =	sadd.s32 @!p0 $0x100000, s0  }
0xce: {  	[sflag:s0] =	ssyncadd.tile.s32 @!p0 $0x1;
	_ =	shalt  }
.Lfunc_end2:
_tile_overlayer_lowered:
.L_overlay_start_2:
0xcf: {  	(tag) =	ssettag $0x2  }
0xd0: {  	s0 =	rddreg [dreg:$0x0];
	s2 =	stileid.u32  }
0xd1: {  	s1 =	rddreg [dreg:$0x1];
	p0 =	sne.s32 s2, $0x0  }
0xd2: {  	s3 =	rddreg [dreg:$0x2];
	[bflag:$0x3] =	sbarrier.arrive $0xFFFF;
	s2 =	simm.s32 @!p0 $0x1C05  }
0xd3: {  	[timem:s3], [sflag:s2] =	dma.local @!p0 [hbm:s0], s1  }
0xd4: {  	s0 =	simm.s32 @!p0 $0x5  }
0xd5: {  	_ =	swait.ge @!p0 [sflag:s0], s1  }
0xd6: {  	s1 =	ssub.s32 @!p0 $0x0, s1;
	[sflag:s0] =	ssyncset.done @!p0 $0x0  }
0xd7: {  	[sflag:s0] =	ssyncadd.s32 @!p0 s1  }
0xd8: {  	[bflag:$0x3] =	sbarrier.arrive $0xFFFF  }
0xd9: {  	_ =	shalt  }

// kernel: sparse-core-data-format-call.cloned.1.call-start
scs
called_computation_lowered:
.L_overlay_start_0:
0x0: {  	s2 =	sld [smem:$0x3FD9]  }
0x1: {  	s3 =	sld [smem:$0x3FFE];
	_ =	sdelay $0x1  }
0x2: {  	s1 =	srdreg.scid  }
0x3: {  	s0 =	sand.u32 $0x1, s1  }
0x4: {  	s18 =	sshll.u32 s0, $0xA;
	s2 =	sadd.s32 s3, s2  }
0x5: {  	s2 =	sadd.s32 s2, s18  }
0x6: {  	[smem:$0x3FC5] =	sst s2  }
0x7: {  	_ = 	snop  }
0x8: {  	s2 =	sld [smem:$0x3FD0];
	(tm) =	ssettm $0x1  }
0x9: {  	s19 =	sld [smem:$0x3FFB];
	_ =	sdelay $0x3  }
0xa: {  	_ =	strace s19  }
0xb: {  	s3 =	sld [smem:$0x3FFC];
	_ =	sdelay $0x3  }
0xc: {  	_ =	strace s3  }
0xd: {  	s3 =	sld [smem:$0x3FFD];
	_ =	sdelay $0x3  }
0xe: {  	_ =	strace s3  }
0xf: {  	_ =	strace $0x8FFFFFFF  }
0x10: {  	s20 =	sld [smem:$0x3FDB];
	_ =	sdelay $0x1  }
0x11: {  	s4 =	simm.s32 $_scs_section_size  }
0x12: {  	s5 =	simm.s32 $_size__tile_overlayer_lowered;
	s6 =	simm.s32 $_tile_overlayer_lowered  }
0x13: {  	s23 =	simm.s32 $0x1BFF;
	s22 =	sshll.u32 s6, $0x1;
	s3 =	sadd.s32 s4, s20  }
0x14: {  	s7 =	simm.s32 $0x0;
	s21 =	sshll.u32 s5, $0x1;
	s5 =	sadd.s32 s22, s3  }
0x15: {  	[timem:s7], [sflag:s23] =	dma.local [hbm:s5], s21  }
0x16: {  	_ =	swait.ge [sflag:s23], s21  }
0x17: {  	s4 =	ssub.s32 $0x0, s21;
	[sflag:s23] =	ssyncset.done $0x0  }
0x18: {  	[sflag:s23] =	ssyncadd.s32 s4;
	_ =	sdelay $0x1  }
0x19: {  	s24 =	simm.s32 $0x1B8B  }
0x1a: {  	_ =	swait.ge [sflag:s24], $0x1  }
0x1b: {  	[sflag:s24] =	ssyncset.done $0x0  }
0x1c: {  	s26 =	simm.s32 $0x1B8E;
	s25 =	sld [smem:$0x3FFE];
	[sflag:s24] =	ssyncadd.s32 $0xFFFFFFFF  }
0x1d: {  	s27 =	simm.s32 $execute0_lowered;
	[smem:$0x3FD2] =	sst s26  }
0x1e: {  	s5 =	sshll.u32 s27, $0x1;
	_ =	strace $0x80000049;
	[dreg:$0x1] =	wrdreg $0xFFFFFFFF  }
0x1f: {  	s28 =	simm.s32 $_size_execute0_lowered;
	s3 =	sadd.s32 s3, s5;
	[dreg:$0x0] =	wrdreg $0x0  }
0x20: {  	s5 =	sshll.u32 s28, $0x1;
	[dreg:$0x2] =	wrdreg s3  }
0x21: {  	[dreg:$0x3] =	wrdreg s5  }
0x22: {  	[dreg:$0x4] =	wrdreg $0xC0  }
0x23: {  	_ =	task [dreg:s7], $0x5FFFF  }
0x24: {  	[dreg:$0x1] =	wrdreg $0xFFFFFFFF  }
0x25: {  	[dreg:$0x0] =	wrdreg $0x60  }
0x26: {  	[dreg:$0x2] =	wrdreg s25  }
0x27: {  	[dreg:$0x3] =	wrdreg s2  }
0x28: {  	[dreg:$0x4] =	wrdreg $0x9  }
0x29: {  	_ =	task.clear_ibuf [dreg:s7], $0x5FFFF;
	_ =	strace $0x90000049  }
0x2a: {  	s29 =	simm.s32 $0x9;
	_ =	strace $0x8000004B  }
0x2b: {  	_ =	swait.ge [sflag:s29], $0x1  }
0x2c: {  	[sflag:s29] =	ssyncadd.s32 $0xFFFFFFFF  }
0x2d: {  	_ =	strace $0x9000004B  }
0x2e: {  	_ =	sfence  }
0x2f: {  	s30 =	sld [smem:$0x0];
	_ =	sdelay $0x2  }
0x30: {  	s31 =	sshll.u32 s1, $0xD;
	s1 =	sshrl.u32 s1, $0x2  }
0x31: {  	s3 =	sand.u32 $0x4000, s31;
	s1 =	sadd.s32 s1, s30  }
0x32: {  	s0 =	sor.u32 s3, s0;
	s1 =	sshll.u32 s1, $0x11  }
0x33: {  	s0 =	sor.u32 s1, s0  }
0x34: {  	s0 =	sadd.s32 $0x8F2B, s0  }
0x35: {  	[sflag:s0] =	ssyncadd.remote.s32 $0x1  }
0x36: {  	_ =	sfence.sel $0xFFFF  }
0x37: {  	[dreg:$0x0] =	wrdreg $0xFFFFFFFF;
	(pc) =	sbr.abs _section_cstart, $3  }
0x38: {  	[dreg:$0x1] =	wrdreg $0xFFFFFFFF  }
0x39: {  	_ =	task.clear_ibuf [dreg:s7], $0x2FFFF;
	_ =	strace $0x9FFFFFFF  }
0x3a: {  	(tm) =	ssettm $0x7FFFFFFF  }
0x3b: {  	_ =	shalt  }
tec
execute0_lowered:
.L_overlay_start_1:
0x0: {  	(tag) =	ssettag $0x1  }
0x1: {  	s0 =	srdreg.scid  }
0x2: {  	s1 =	sshll.u32 s0, $0x4  }
0x3: {  	s0 =	stileid.u32;
	s1 =	sand.u32 $0x10, s1  }
0x4: {  	s1 =	sor.u32 s0, s1  }
0x5: {  	s6 =	rddreg [dreg:$0x0];
	s4 =	simm.s32 $0x1;
	s2 =	sshll.u32 s1, $0x7  }
0x6: {  	s7 =	simm.s32 $0x2;
	s12 =	simm.s32 $0x0;
	s1 =	ssub.s32 $0x1000, s2  }
0x7: {  	s8 =	simm.s32 $0x8000;
	s13 =	simm.s32 $0x0;
	s3 =	sand.u32 $0xF80, s1  }
0x8: {  	s9 =	simm.s32 $0x0;
	s5 =	sshrl.u32 s1, $0xC;
	p0 =	sne.s32 s3, $0x0  }
.Ltmp0:
0x9: {  	s1 =	rddreg [dreg:$0x2];
	s4 =	simm.s32 @!p0 $0x0;
	(pc) =	sbr.rel .LBB1_1-.Ltmp0, $4  }
0xa: {  	s11 =	simm.s32 $0x0;
	s3 =	rddreg [dreg:$0x1];
	s5 =	sadd.s32 s4, s5  }
0xb: {  	_ =	strace $0x8000004A;
	s4 =	simm.s32 $0x1;
	s5 =	smul.u32 $0xC8, s5  }
0xc: {  	s6 =	sadd.s32 $0xA00, s6;
	s10 =	smov.u32 s2;
	[sflag:s4] =	ssyncpa.u1 $0x0  }
0xd: {  	p0 =	por $0x0, $0x0;
	[sflag:s7] =	ssyncpa.u1 $0x0;
	s7 =	sor.u32 $0x1, s5  }
.LBB1_4:
0xe: {  	s16 =	sshll.u32 s13, $0x3;
	s17 =	sand.u32 $0x78, s13  }
0xf: {  	s30 =	sand.u32 $0x7E00, s13;
	s12 =	sshll.u32 s12, $0xF;
	s16 =	sand.u32 $0xC00, s16  }
0x10: {  	[tilespmem:s15+$0x810 ss:$0x81] =	vst.msk $0xffff, v2;
	s31 =	sand.u32 $0x7, s13;
	s16 =	sor.u32 s17, s16;
	s17 =	sadd.s32 s3, s30  }
0x11: {  	[tilespmem:s15+$0x1020 ss:$0x81] =	vst.msk $0xffff, v0;
	s13 =	sshll.u32 s31, $0x12;
	s12 =	sadd.s32 s12, s17;
	s16 =	sshrl.u32 s16, $0x3  }
0x12: {  	[tilespmem:s15+$0x0 ss:$0x81] =	vst.msk $0xffff, v1;
	s13 =	sor.u32 $0x400, s13;
	s12 =	sadd.s32 s16, s12  }
0x13: {  	[hbm4b:s12+s13] =	stream.strided.scatter [tilespmem:s14], [sflag:$0x2], $0x2000, s8, s13, $0x20;
	[tilespmem:$0x8080] =	vst v63  }
.LBB1_5:
0x14: {  	s14 =	sadd.s32 $0x1, s9  }
0x15: {  	s12 =	sadd.s32 $0x1000, s10;
	s16 =	smov.u32 s10;
	p2 =	sgt.s32 s14, $0xC7  }
0x16: {  	s16 =	smov.u32 @p2 s12  }
0x17: {  	s14 =	simm.s32 @p2 $0x0;
	p2 =	sgt.s32 s16, $0xFFF  }
0x18: {  	s16 =	smov.u32 @p2 s2;
	p2 =	sne.s32 s11, s7  }
.Ltmp1:
0x19: {  	p1 =	slt.u32 s11, $0x2;
	(pc) =	sbr.rel @!p2 .LBB1_6-.Ltmp1, $4  }
0x1a: {  	s15 =	simm.s32 @!p1 $0x2  }
0x1b: {  	s13 =	smov.u32 s10;
	p0 =	por !p0, !p0;
	_ =	swait.ge @!p1 [sflag:s15], $0x2000  }
0x1c: {  	s12 =	smov.u32 s9;
	[sflag:s15] =	ssyncset.done @!p1 $0x0;
	s9 =	smov.u32 s14  }
0x1d: {  	s11 =	sadd.s32 $0x1, s11;
	[sflag:s15] =	ssyncadd.s32 @!p1 $0xFFFFE000;
	s10 =	smov.u32 s16  }
.LBB1_1:
0x1e: {  	p1 =	sge.u32 s11, s5  }
0x1f: {  	s14 =	sand.u32 @!p1 $0x1FFFFFF, s9  }
0x20: {  	s15 =	smulhi.u32 @!p1 $0x147AE15, s14;
	_ =	sdelay $0x1  }
0x21: {  	s15 =	smul.u32 @!p1 $0xC8, s15  }
0x22: {  	s16 =	sxor.u32 @!p1 $0xFFFFFFFF, s11;
	s17 =	smul.u32 @!p1 $0xC80, s10  }
0x23: {  	s31 =	sadd.s32 $0xFFFFFFFF, s11;
	s16 =	sshll.u32 @!p1 s16, $0xD;
	s14 =	ssub.s32 @!p1 s14, s15  }
0x24: {  	s15 =	sand.u32 @!p1 $0x2000, s16;
	s16 =	sadd.s32 @!p1 s6, s17;
	s14 =	sshll.u32 @!p1 s14, $0x4  }
0x25: {  	s17 =	simm.s32 @!p1 $0x6400;
	s14 =	sadd.s32 @!p1 s14, s16;
	s16 =	simm.s32 @!p1 $0x40  }
0x26: {  	[tilespmem:s15], [sflag:$0x1] =	stream.strided.gather @!p1 [hbm4b:s14+s16], $0x2000, s17, s16, $0x38;
	[tilespmem:$0x8080] =	vst v63  }
0x27: {  	p1 =	sge.u32 s31, s5  }
.Ltmp2:
0x28: {  	_ = 	snop;
	(pc) =	sbr.rel @p1 .LBB1_5-.Ltmp2, $1  }
0x29: {  	_ =	sdelay $0x3  }
0x2a: {  	s14 =	simm.s32 $0x1  }
0x2b: {  	_ =	swait.ge [sflag:s4], $0x2000;
	s14 =	simm.s32 @!p0 $0x0  }
0x2c: {  	[sflag:s4] =	ssyncset.done $0x0;
	s15 =	sshll.u32 s14, $0xD  }
0x2d: {  	[sflag:s4] =	ssyncadd.s32 $0xFFFFE000;
	s18 =	sor.u32 $0x20, s15  }
0x2e: {  	s14 =	smul.u32 $0x8100, s14;
	v3 =	vld [tilespmem:s18+$0x10]  }
0x2f: {  	s30 =	sand.u32 $0x1, s11;
	v2 =	vld [tilespmem:s18+$0xFFFFFFF0]  }
0x30: {  	s15 =	smul.u32 $0x8100, s30;
	s14 =	sshrl.u32 s14, $0x2;
	v0 =	vld [tilespmem:s18+$0x0]  }
0x31: {  	v1 =	vld [tilespmem:s18+$0xFFFFFFE0];
	s16 =	sor.u32 $0x4000, s14  }
0x32: {  	s31 =	sshrl.u32 s15, $0x2;
	s15 =	sadd.s32 $0x0, s16  }
0x33: {  	s17 =	simm.s32 $0x4;
	s18 =	sadd.s32 $0x40, s18;
	s14 =	sor.u32 $0x4000, s31;
	[tilespmem:s15+$0x1830 ss:$0x81] =	vst.msk $0xffff, v3  }
.LBB1_3:
0x34: {  	v3 =	vld [tilespmem:s18+$0x10];
	p1 =	sne.s32 s17, $0x1FC;
	[tilespmem:s15+$0x810 ss:$0x81] =	vst.msk $0xffff, v2;
	s19 =	smov.u32 s17;
	s17 =	sadd.s32 $0x4, s17  }
.Ltmp3:
0x35: {  	v2 =	vld [tilespmem:s18+$0xFFFFFFF0];
	[tilespmem:s15+$0x1020 ss:$0x81] =	vst.msk $0xffff, v0;
	(pc) =	sbr.rel @p1 .LBB1_3-.Ltmp3, $4  }
0x36: {  	v0 =	vld [tilespmem:s18+$0x0];
	[tilespmem:s15+$0x0 ss:$0x81] =	vst.msk $0xffff, v1  }
0x37: {  	s15 =	sshra.s32 s19, $0x2;
	v1 =	vld [tilespmem:s18+$0xFFFFFFE0]  }
0x38: {  	s15 =	sadd.s32 s15, s16  }
0x39: {  	s18 =	sadd.s32 $0x40, s18;
	[tilespmem:s15+$0x1830 ss:$0x81] =	vst.msk $0xffff, v3  }
.Ltmp4:
0x3a: {  	_ = 	snop;
	(pc) =	sbr.rel .LBB1_4-.Ltmp4, $1  }
0x3b: {  	_ =	sdelay $0x3  }
.LBB1_6:
0x3c: {  	_ =	sfence.sel $0x180000  }
0x3d: {  	s2 =	simm.s32 $0x1;
	[bflag:$0x0] =	sbarrier.arrive $0xFFFF  }
0x3e: {  	s31 =	simm.s32 $0x2;
	[sflag:s2] =	ssyncpa.u1 $0x1  }
0x3f: {  	[sflag:s31] =	ssyncpa.u1 $0x1  }
0x40: {  	p0 =	sne.s32 s0, $0x0;
	_ =	strace $0x9000004A  }
0x41: {  	s0 =	sadd.s32 @!p0 $0x100000, s1;
	[bflag:$0x2] =	sbarrier.arrive $0xFFFF  }
0x42: {  	[sflag:s0] =	ssyncadd.tile.s32 @!p0 $0x1;
	_ =	shalt  }
.Lfunc_end1:
_tile_overlayer_lowered:
.L_overlay_start_2:
0x43: {  	(tag) =	ssettag $0x2  }
0x44: {  	s0 =	rddreg [dreg:$0x0];
	s2 =	stileid.u32  }
0x45: {  	s1 =	rddreg [dreg:$0x1];
	p0 =	sne.s32 s2, $0x0  }
0x46: {  	s3 =	rddreg [dreg:$0x2];
	[bflag:$0x3] =	sbarrier.arrive $0xFFFF;
	s2 =	simm.s32 @!p0 $0x1C01  }
0x47: {  	[timem:s3], [sflag:s2] =	dma.local @!p0 [hbm:s0], s1  }
0x48: {  	s0 =	simm.s32 @!p0 $0x1  }
0x49: {  	_ =	swait.ge @!p0 [sflag:s0], s1  }
0x4a: {  	s1 =	ssub.s32 @!p0 $0x0, s1;
	[sflag:s0] =	ssyncset.done @!p0 $0x0  }
0x4b: {  	[sflag:s0] =	ssyncadd.s32 @!p0 s1  }
0x4c: {  	[bflag:$0x3] =	sbarrier.arrive $0xFFFF  }
0x4d: {  	_ =	shalt  }

</sc_bundles>
